<compile_context>
chip_gen: v7x
topology: tpu7x:2x2x1
jax: 0.10.2.dev20260603
libtpu: 0.0.44.dev20260713+nightly
codegen_flags: <defaults>
</compile_context>

<pallas_src>
import functools

import jax
import jax.numpy as jnp
from jax import lax
from jax.experimental import pallas as pl
from jax.experimental.pallas import tpu as pltpu
from jax.experimental.pallas import tpu_sc as plsc

NUM_CAMERAS = 100000
BATCH = 16384
D = 3
L = 16
NC, NS = 2, 16
NW = NC * NS
BPW = BATCH // NW
TW = BPW * D
CHUNK = 128
NCHUNK = TW // CHUNK

_mesh = plsc.VectorSubcoreMesh(core_axis_name="c", subcore_axis_name="s")


@functools.partial(
    pl.kernel,
    mesh=_mesh,
    compiler_params=pltpu.CompilerParams(use_tc_tiling_on_sc=False,
                                         needs_layout_passes=False),
    out_type=jax.ShapeDtypeStruct((BATCH, 2 * D), jnp.float32),
    scratch_types=[
        pltpu.VMEM((BPW,), jnp.int32),
        pltpu.VMEM((TW,), jnp.int32),
        pltpu.VMEM((2 * TW,), jnp.float32),
        pltpu.VMEM((BPW, 2 * D), jnp.float32),
        pltpu.SemaphoreType.DMA,
    ],
)
def _gather_add(init_hbm, idx_hbm, lin_hbm, ang_hbm, out_hbm,
                idx_v, gidx_v, tab_v, acc_v, sem):
    wid = lax.axis_index("s") * NC + lax.axis_index("c")

    pltpu.sync_copy(idx_hbm.at[pl.ds(wid * BPW, BPW)], idx_v)

    def expand(i, carry):
        q = lax.iota(jnp.int32, L) + i * L
        iv = plsc.load_gather(idx_v, [lax.div(q, D)])
        gidx_v[pl.ds(i * L, L)] = iv * D + lax.rem(q, D)
        return carry

    lax.fori_loop(0, TW // L, expand, 0)

    copies = []
    for k in range(NCHUNK):
        g = gidx_v.at[pl.ds(k * CHUNK, CHUNK)]
        copies.append(pltpu.async_copy(
            lin_hbm.at[g], tab_v.at[pl.ds(k * CHUNK, CHUNK)], sem))
        copies.append(pltpu.async_copy(
            ang_hbm.at[g], tab_v.at[pl.ds(TW + k * CHUNK, CHUNK)], sem))

    pltpu.sync_copy(init_hbm.at[pl.ds(wid * BPW, BPW), :], acc_v)
    for c in copies:
        c.wait()

    def body(i, carry):
        q = lax.iota(jnp.int32, L) + i * L
        r = lax.div(q, 2 * D)
        c = lax.rem(q, 2 * D)
        src = r * D + lax.rem(q, D) + TW * lax.div(c, D)
        adj = plsc.load_gather(tab_v, [src])
        val = plsc.load_gather(acc_v, [r, c])
        plsc.store_scatter(acc_v, [r, c], val + adj)
        return carry

    lax.fori_loop(0, BPW * 2 * D // L, body, 0)

    pltpu.sync_copy(acc_v, out_hbm.at[pl.ds(wid * BPW, BPW), :])


def kernel(init_velocities, camera_idx, linear_velocity_adjustment,
           angular_velocity_adjustment):
    return _gather_add(init_velocities, camera_idx.astype(jnp.int32),
                       linear_velocity_adjustment.reshape(-1),
                       angular_velocity_adjustment.reshape(-1))

# --- scband reference (transcript-rebuilt; emitter-appended) ---
"""Pipeline reference for scband-camera-velocity-optimizer-56762287784498 (READ-ONLY COPY).

The authoritative reference and input builder live on the scoring server;
editing this copy changes nothing except your own understanding.
"""

import jax, jax.numpy as jnp
import numpy as np

NUM_CAMERAS = 100000
BATCH = 16384

def setup_inputs(seed: int = 0) -> dict:
    key = jax.random.key(seed)
    k1, k2, k3, k4 = jax.random.split(key, 4)
    init_velocities = jax.random.normal(k1, (BATCH, 6), dtype=jnp.float32)
    camera_idx = jax.random.randint(k2, (BATCH,), 0, NUM_CAMERAS, dtype=jnp.int64)
    # Learned parameters: initialized as zeros in the module; use small noise so gather is non-trivial
    linear_velocity_adjustment = jax.random.normal(k3, (NUM_CAMERAS, 3), dtype=jnp.float32) * 0.01
    angular_velocity_adjustment = jax.random.normal(k4, (NUM_CAMERAS, 3), dtype=jnp.float32) * 0.01
    return {
        "init_velocities": init_velocities,
        "camera_idx": camera_idx,
        "linear_velocity_adjustment": linear_velocity_adjustment,
        "angular_velocity_adjustment": angular_velocity_adjustment,
    }

def reference(init_velocities, camera_idx, linear_velocity_adjustment, angular_velocity_adjustment):
    # apply_to_camera_velocity with config.enabled=True and cam_idx present in metadata:
    # adj = hstack([linear_adj[camera_idx, :], angular_adj[camera_idx, :]])
    lin = jnp.take(linear_velocity_adjustment, camera_idx, axis=0)
    ang = jnp.take(angular_velocity_adjustment, camera_idx, axis=0)
    adj = jnp.concatenate([lin, ang], axis=-1)
    return init_velocities + adj

if __name__ == "__main__":
    import jax
    _d = setup_inputs()
    print(jax.jit(kernel)(*tuple(_d.values())))

</pallas_src>

<mosaic_0001>
#map = affine_map<(d0, d1) -> (0, 0)>
#map1 = affine_map<(d0, d1) -> (0)>
module attributes {stable_mosaic.version = 14 : i64} {
  func.func @_gather_add(%arg0: i32, %arg1: i32, %arg2: memref<16384x6xf32, #tpu.memory_space<hbm>>, %arg3: memref<16384xi32, #tpu.memory_space<hbm>>, %arg4: memref<300000xf32, #tpu.memory_space<hbm>>, %arg5: memref<300000xf32, #tpu.memory_space<hbm>>, %arg6: memref<16384x6xf32, #tpu.memory_space<hbm>>, %arg7: memref<512xi32, #tpu.memory_space<vmem>>, %arg8: memref<1536xi32, #tpu.memory_space<vmem>>, %arg9: memref<3072xf32, #tpu.memory_space<vmem>>, %arg10: memref<512x6xf32, #tpu.memory_space<vmem>>, %arg11: memref<!tpu.dma_semaphore, #tpu.memory_space<semaphore_mem>>) attributes {dimension_semantics = [#tpu.dimension_semantics<core_parallel>, #tpu.dimension_semantics<subcore_parallel>], iteration_bounds = array<i64: 2, 16>, scalar_prefetch = 0 : i64, scratch_operands = 5 : i64, tpu.core_type = #tpu.core_type<sc_vector_subcore>, window_params = [{transform_indices = #map}, {transform_indices = #map1}, {transform_indices = #map1}, {transform_indices = #map1}, {transform_indices = #map}]} {
    %mul3A = arith.constant 2 : i32
    %mul3A_0 = arith.muli %arg1, %mul3A : i32
    %add3A = arith.addi %mul3A_0, %arg0 : i32
    %mul3A_1 = arith.constant 512 : i32
    %mul3A_2 = arith.muli %add3A, %mul3A_1 : i32
    "tpu.region"() ({
      %run_scoped3A = tpu.sem_alloc : memref<!tpu.dma_semaphore, #tpu.memory_space<semaphore_mem>>
      %dma_start3A_304 = tpu.memref_slice %arg3[%mul3A_2] : memref<16384xi32, #tpu.memory_space<hbm>> -> memref<512xi32, #tpu.memory_space<hbm>>
      %dma_start3A_305 = tpu.memref_slice %arg3[%mul3A_2] : memref<16384xi32, #tpu.memory_space<hbm>> -> memref<512xi32, #tpu.memory_space<hbm>>
      tpu.enqueue_dma source(%dma_start3A_305 : memref<512xi32, #tpu.memory_space<hbm>>) target(%arg7 : memref<512xi32, #tpu.memory_space<vmem>>) target_semaphore(%run_scoped3A : memref<!tpu.dma_semaphore, #tpu.memory_space<semaphore_mem>>)
      %dma_wait3A_306 = tpu.memref_slice %arg3[%mul3A_2] : memref<16384xi32, #tpu.memory_space<hbm>> -> memref<512xi32, #tpu.memory_space<hbm>>
      %dma_wait3A_307 = tpu.memref_slice %arg3[%mul3A_2] : memref<16384xi32, #tpu.memory_space<hbm>> -> memref<512xi32, #tpu.memory_space<hbm>>
      tpu.wait_dma2 semaphore(%run_scoped3A : memref<!tpu.dma_semaphore, #tpu.memory_space<semaphore_mem>>) src(%dma_wait3A_307 : memref<512xi32, #tpu.memory_space<hbm>>) dst(%arg7 : memref<512xi32, #tpu.memory_space<vmem>>)
      tpu.yield
    }) : () -> ()
    %scan3A = arith.constant 0 : i32
    %scan3A_3 = arith.constant 0 : i32
    %scan3A_4 = arith.constant 96 : i32
    %scan3A_5 = arith.addi %scan3A_3, %scan3A_4 : i32
    %scan3A_6 = arith.constant 1 : i32
    scf.for %scan3A_304 = %scan3A_3 to %scan3A_5 step %scan3A_6  : i32 {
      %iota3A = tpu.iota {dimensions = array<i32: 0>} : vector<16xi32>
      %mul3A_305 = arith.constant 16 : i32
      %mul3A_306 = arith.muli %scan3A_304, %mul3A_305 : i32
      %add3A_307 = vector.broadcast %mul3A_306 : i32 to vector<16xi32>
      %add3A_308 = arith.addi %iota3A, %add3A_307 : vector<16xi32>
      %div3A = arith.constant 3 : i32
      %div3A_309 = vector.broadcast %div3A : i32 to vector<16xi32>
      %div3A_310 = arith.divsi %add3A_308, %div3A_309 : vector<16xi32>
      %gather3A = tpu.vector_load_idx %arg7[%div3A_310] : memref<512xi32, #tpu.memory_space<vmem>>[vector<16xi32>], vector<16xi32>,
      %mul3A_311 = arith.constant 3 : i32
      %mul3A_312 = vector.broadcast %mul3A_311 : i32 to vector<16xi32>
      %mul3A_313 = arith.muli %gather3A, %mul3A_312 : vector<16xi32>
      %rem3A = arith.constant 3 : i32
      %rem3A_314 = vector.broadcast %rem3A : i32 to vector<16xi32>
      %rem3A_315 = arith.remsi %add3A_308, %rem3A_314 : vector<16xi32>
      %add3A_316 = arith.addi %mul3A_313, %rem3A_315 : vector<16xi32>
      %mul3A_317 = arith.constant 16 : i32
      %mul3A_318 = arith.muli %scan3A_304, %mul3A_317 : i32
      %swap3A = arith.index_cast %mul3A_318 : i32 to index
      %swap3A_319 = tpu.vector_load %arg8[%swap3A] {strides = array<i32>} : memref<1536xi32, #tpu.memory_space<vmem>>, vector<16xi32>,
      tpu.vector_store %arg8[%swap3A], %add3A_316 {strides = array<i32>} : memref<1536xi32, #tpu.memory_space<vmem>>, vector<16xi32>,
    }
    %scan3A_7 = arith.constant 96 : i32
    %dma_start3A = arith.constant 0 : i32
    %dma_start3A_8 = tpu.memref_slice %arg9[%dma_start3A] : memref<3072xf32, #tpu.memory_space<vmem>> -> memref<128xf32, #tpu.memory_space<vmem>>
    %dma_start3A_9 = arith.constant 0 : i32
    %dma_start3A_10 = tpu.memref_slice %arg8[%dma_start3A_9] : memref<1536xi32, #tpu.memory_space<vmem>> -> memref<128xi32, #tpu.memory_space<vmem>>
    %dma_start3A_11 = arith.constant 0 : i32
    %dma_start3A_12 = tpu.memref_slice %arg4[%dma_start3A_11] : memref<300000xf32, #tpu.memory_space<hbm>> -> memref<300000xf32, #tpu.memory_space<hbm>>
    tpu.enqueue_indirect_dma source(%dma_start3A_12 : memref<300000xf32, #tpu.memory_space<hbm>>) target(%dma_start3A_8 : memref<128xf32, #tpu.memory_space<vmem>>) offsets(%dma_start3A_10 : memref<128xi32, #tpu.memory_space<vmem>>) semaphore(%arg11 : memref<!tpu.dma_semaphore, #tpu.memory_space<semaphore_mem>>)
    %dma_start3A_13 = arith.constant 1536 : i32
    %dma_start3A_14 = tpu.memref_slice %arg9[%dma_start3A_13] : memref<3072xf32, #tpu.memory_space<vmem>> -> memref<128xf32, #tpu.memory_space<vmem>>
    %dma_start3A_15 = arith.constant 0 : i32
    %dma_start3A_16 = tpu.memref_slice %arg8[%dma_start3A_15] : memref<1536xi32, #tpu.memory_space<vmem>> -> memref<128xi32, #tpu.memory_space<vmem>>
    %dma_start3A_17 = arith.constant 0 : i32
    %dma_start3A_18 = tpu.memref_slice %arg5[%dma_start3A_17] : memref<300000xf32, #tpu.memory_space<hbm>> -> memref<300000xf32, #tpu.memory_space<hbm>>
    tpu.enqueue_indirect_dma source(%dma_start3A_18 : memref<300000xf32, #tpu.memory_space<hbm>>) target(%dma_start3A_14 : memref<128xf32, #tpu.memory_space<vmem>>) offsets(%dma_start3A_16 : memref<128xi32, #tpu.memory_space<vmem>>) semaphore(%arg11 : memref<!tpu.dma_semaphore, #tpu.memory_space<semaphore_mem>>)
    %dma_start3A_19 = arith.constant 128 : i32
    %dma_start3A_20 = tpu.memref_slice %arg9[%dma_start3A_19] : memref<3072xf32, #tpu.memory_space<vmem>> -> memref<128xf32, #tpu.memory_space<vmem>>
    %dma_start3A_21 = arith.constant 128 : i32
    %dma_start3A_22 = tpu.memref_slice %arg8[%dma_start3A_21] : memref<1536xi32, #tpu.memory_space<vmem>> -> memref<128xi32, #tpu.memory_space<vmem>>
    %dma_start3A_23 = arith.constant 0 : i32
    %dma_start3A_24 = tpu.memref_slice %arg4[%dma_start3A_23] : memref<300000xf32, #tpu.memory_space<hbm>> -> memref<300000xf32, #tpu.memory_space<hbm>>
    tpu.enqueue_indirect_dma source(%dma_start3A_24 : memref<300000xf32, #tpu.memory_space<hbm>>) target(%dma_start3A_20 : memref<128xf32, #tpu.memory_space<vmem>>) offsets(%dma_start3A_22 : memref<128xi32, #tpu.memory_space<vmem>>) semaphore(%arg11 : memref<!tpu.dma_semaphore, #tpu.memory_space<semaphore_mem>>)
    %dma_start3A_25 = arith.constant 1664 : i32
    %dma_start3A_26 = tpu.memref_slice %arg9[%dma_start3A_25] : memref<3072xf32, #tpu.memory_space<vmem>> -> memref<128xf32, #tpu.memory_space<vmem>>
    %dma_start3A_27 = arith.constant 128 : i32
    %dma_start3A_28 = tpu.memref_slice %arg8[%dma_start3A_27] : memref<1536xi32, #tpu.memory_space<vmem>> -> memref<128xi32, #tpu.memory_space<vmem>>
    %dma_start3A_29 = arith.constant 0 : i32
    %dma_start3A_30 = tpu.memref_slice %arg5[%dma_start3A_29] : memref<300000xf32, #tpu.memory_space<hbm>> -> memref<300000xf32, #tpu.memory_space<hbm>>
    tpu.enqueue_indirect_dma source(%dma_start3A_30 : memref<300000xf32, #tpu.memory_space<hbm>>) target(%dma_start3A_26 : memref<128xf32, #tpu.memory_space<vmem>>) offsets(%dma_start3A_28 : memref<128xi32, #tpu.memory_space<vmem>>) semaphore(%arg11 : memref<!tpu.dma_semaphore, #tpu.memory_space<semaphore_mem>>)
    %dma_start3A_31 = arith.constant 256 : i32
    %dma_start3A_32 = tpu.memref_slice %arg9[%dma_start3A_31] : memref<3072xf32, #tpu.memory_space<vmem>> -> memref<128xf32, #tpu.memory_space<vmem>>
    %dma_start3A_33 = arith.constant 256 : i32
    %dma_start3A_34 = tpu.memref_slice %arg8[%dma_start3A_33] : memref<1536xi32, #tpu.memory_space<vmem>> -> memref<128xi32, #tpu.memory_space<vmem>>
    %dma_start3A_35 = arith.constant 0 : i32
    %dma_start3A_36 = tpu.memref_slice %arg4[%dma_start3A_35] : memref<300000xf32, #tpu.memory_space<hbm>> -> memref<300000xf32, #tpu.memory_space<hbm>>
    tpu.enqueue_indirect_dma source(%dma_start3A_36 : memref<300000xf32, #tpu.memory_space<hbm>>) target(%dma_start3A_32 : memref<128xf32, #tpu.memory_space<vmem>>) offsets(%dma_start3A_34 : memref<128xi32, #tpu.memory_space<vmem>>) semaphore(%arg11 : memref<!tpu.dma_semaphore, #tpu.memory_space<semaphore_mem>>)
    %dma_start3A_37 = arith.constant 1792 : i32
    %dma_start3A_38 = tpu.memref_slice %arg9[%dma_start3A_37] : memref<3072xf32, #tpu.memory_space<vmem>> -> memref<128xf32, #tpu.memory_space<vmem>>
    %dma_start3A_39 = arith.constant 256 : i32
    %dma_start3A_40 = tpu.memref_slice %arg8[%dma_start3A_39] : memref<1536xi32, #tpu.memory_space<vmem>> -> memref<128xi32, #tpu.memory_space<vmem>>
    %dma_start3A_41 = arith.constant 0 : i32
    %dma_start3A_42 = tpu.memref_slice %arg5[%dma_start3A_41] : memref<300000xf32, #tpu.memory_space<hbm>> -> memref<300000xf32, #tpu.memory_space<hbm>>
    tpu.enqueue_indirect_dma source(%dma_start3A_42 : memref<300000xf32, #tpu.memory_space<hbm>>) target(%dma_start3A_38 : memref<128xf32, #tpu.memory_space<vmem>>) offsets(%dma_start3A_40 : memref<128xi32, #tpu.memory_space<vmem>>) semaphore(%arg11 : memref<!tpu.dma_semaphore, #tpu.memory_space<semaphore_mem>>)
    %dma_start3A_43 = arith.constant 384 : i32
    %dma_start3A_44 = tpu.memref_slice %arg9[%dma_start3A_43] : memref<3072xf32, #tpu.memory_space<vmem>> -> memref<128xf32, #tpu.memory_space<vmem>>
    %dma_start3A_45 = arith.constant 384 : i32
    %dma_start3A_46 = tpu.memref_slice %arg8[%dma_start3A_45] : memref<1536xi32, #tpu.memory_space<vmem>> -> memref<128xi32, #tpu.memory_space<vmem>>
    %dma_start3A_47 = arith.constant 0 : i32
    %dma_start3A_48 = tpu.memref_slice %arg4[%dma_start3A_47] : memref<300000xf32, #tpu.memory_space<hbm>> -> memref<300000xf32, #tpu.memory_space<hbm>>
    tpu.enqueue_indirect_dma source(%dma_start3A_48 : memref<300000xf32, #tpu.memory_space<hbm>>) target(%dma_start3A_44 : memref<128xf32, #tpu.memory_space<vmem>>) offsets(%dma_start3A_46 : memref<128xi32, #tpu.memory_space<vmem>>) semaphore(%arg11 : memref<!tpu.dma_semaphore, #tpu.memory_space<semaphore_mem>>)
    %dma_start3A_49 = arith.constant 1920 : i32
    %dma_start3A_50 = tpu.memref_slice %arg9[%dma_start3A_49] : memref<3072xf32, #tpu.memory_space<vmem>> -> memref<128xf32, #tpu.memory_space<vmem>>
    %dma_start3A_51 = arith.constant 384 : i32
    %dma_start3A_52 = tpu.memref_slice %arg8[%dma_start3A_51] : memref<1536xi32, #tpu.memory_space<vmem>> -> memref<128xi32, #tpu.memory_space<vmem>>
    %dma_start3A_53 = arith.constant 0 : i32
    %dma_start3A_54 = tpu.memref_slice %arg5[%dma_start3A_53] : memref<300000xf32, #tpu.memory_space<hbm>> -> memref<300000xf32, #tpu.memory_space<hbm>>
    tpu.enqueue_indirect_dma source(%dma_start3A_54 : memref<300000xf32, #tpu.memory_space<hbm>>) target(%dma_start3A_50 : memref<128xf32, #tpu.memory_space<vmem>>) offsets(%dma_start3A_52 : memref<128xi32, #tpu.memory_space<vmem>>) semaphore(%arg11 : memref<!tpu.dma_semaphore, #tpu.memory_space<semaphore_mem>>)
    %dma_start3A_55 = arith.constant 512 : i32
    %dma_start3A_56 = tpu.memref_slice %arg9[%dma_start3A_55] : memref<3072xf32, #tpu.memory_space<vmem>> -> memref<128xf32, #tpu.memory_space<vmem>>
    %dma_start3A_57 = arith.constant 512 : i32
    %dma_start3A_58 = tpu.memref_slice %arg8[%dma_start3A_57] : memref<1536xi32, #tpu.memory_space<vmem>> -> memref<128xi32, #tpu.memory_space<vmem>>
    %dma_start3A_59 = arith.constant 0 : i32
    %dma_start3A_60 = tpu.memref_slice %arg4[%dma_start3A_59] : memref<300000xf32, #tpu.memory_space<hbm>> -> memref<300000xf32, #tpu.memory_space<hbm>>
    tpu.enqueue_indirect_dma source(%dma_start3A_60 : memref<300000xf32, #tpu.memory_space<hbm>>) target(%dma_start3A_56 : memref<128xf32, #tpu.memory_space<vmem>>) offsets(%dma_start3A_58 : memref<128xi32, #tpu.memory_space<vmem>>) semaphore(%arg11 : memref<!tpu.dma_semaphore, #tpu.memory_space<semaphore_mem>>)
    %dma_start3A_61 = arith.constant 2048 : i32
    %dma_start3A_62 = tpu.memref_slice %arg9[%dma_start3A_61] : memref<3072xf32, #tpu.memory_space<vmem>> -> memref<128xf32, #tpu.memory_space<vmem>>
    %dma_start3A_63 = arith.constant 512 : i32
    %dma_start3A_64 = tpu.memref_slice %arg8[%dma_start3A_63] : memref<1536xi32, #tpu.memory_space<vmem>> -> memref<128xi32, #tpu.memory_space<vmem>>
    %dma_start3A_65 = arith.constant 0 : i32
    %dma_start3A_66 = tpu.memref_slice %arg5[%dma_start3A_65] : memref<300000xf32, #tpu.memory_space<hbm>> -> memref<300000xf32, #tpu.memory_space<hbm>>
    tpu.enqueue_indirect_dma source(%dma_start3A_66 : memref<300000xf32, #tpu.memory_space<hbm>>) target(%dma_start3A_62 : memref<128xf32, #tpu.memory_space<vmem>>) offsets(%dma_start3A_64 : memref<128xi32, #tpu.memory_space<vmem>>) semaphore(%arg11 : memref<!tpu.dma_semaphore, #tpu.memory_space<semaphore_mem>>)
    %dma_start3A_67 = arith.constant 640 : i32
    %dma_start3A_68 = tpu.memref_slice %arg9[%dma_start3A_67] : memref<3072xf32, #tpu.memory_space<vmem>> -> memref<128xf32, #tpu.memory_space<vmem>>
    %dma_start3A_69 = arith.constant 640 : i32
    %dma_start3A_70 = tpu.memref_slice %arg8[%dma_start3A_69] : memref<1536xi32, #tpu.memory_space<vmem>> -> memref<128xi32, #tpu.memory_space<vmem>>
    %dma_start3A_71 = arith.constant 0 : i32
    %dma_start3A_72 = tpu.memref_slice %arg4[%dma_start3A_71] : memref<300000xf32, #tpu.memory_space<hbm>> -> memref<300000xf32, #tpu.memory_space<hbm>>
    tpu.enqueue_indirect_dma source(%dma_start3A_72 : memref<300000xf32, #tpu.memory_space<hbm>>) target(%dma_start3A_68 : memref<128xf32, #tpu.memory_space<vmem>>) offsets(%dma_start3A_70 : memref<128xi32, #tpu.memory_space<vmem>>) semaphore(%arg11 : memref<!tpu.dma_semaphore, #tpu.memory_space<semaphore_mem>>)
    %dma_start3A_73 = arith.constant 2176 : i32
    %dma_start3A_74 = tpu.memref_slice %arg9[%dma_start3A_73] : memref<3072xf32, #tpu.memory_space<vmem>> -> memref<128xf32, #tpu.memory_space<vmem>>
    %dma_start3A_75 = arith.constant 640 : i32
    %dma_start3A_76 = tpu.memref_slice %arg8[%dma_start3A_75] : memref<1536xi32, #tpu.memory_space<vmem>> -> memref<128xi32, #tpu.memory_space<vmem>>
    %dma_start3A_77 = arith.constant 0 : i32
    %dma_start3A_78 = tpu.memref_slice %arg5[%dma_start3A_77] : memref<300000xf32, #tpu.memory_space<hbm>> -> memref<300000xf32, #tpu.memory_space<hbm>>
    tpu.enqueue_indirect_dma source(%dma_start3A_78 : memref<300000xf32, #tpu.memory_space<hbm>>) target(%dma_start3A_74 : memref<128xf32, #tpu.memory_space<vmem>>) offsets(%dma_start3A_76 : memref<128xi32, #tpu.memory_space<vmem>>) semaphore(%arg11 : memref<!tpu.dma_semaphore, #tpu.memory_space<semaphore_mem>>)
    %dma_start3A_79 = arith.constant 768 : i32
    %dma_start3A_80 = tpu.memref_slice %arg9[%dma_start3A_79] : memref<3072xf32, #tpu.memory_space<vmem>> -> memref<128xf32, #tpu.memory_space<vmem>>
    %dma_start3A_81 = arith.constant 768 : i32
    %dma_start3A_82 = tpu.memref_slice %arg8[%dma_start3A_81] : memref<1536xi32, #tpu.memory_space<vmem>> -> memref<128xi32, #tpu.memory_space<vmem>>
    %dma_start3A_83 = arith.constant 0 : i32
    %dma_start3A_84 = tpu.memref_slice %arg4[%dma_start3A_83] : memref<300000xf32, #tpu.memory_space<hbm>> -> memref<300000xf32, #tpu.memory_space<hbm>>
    tpu.enqueue_indirect_dma source(%dma_start3A_84 : memref<300000xf32, #tpu.memory_space<hbm>>) target(%dma_start3A_80 : memref<128xf32, #tpu.memory_space<vmem>>) offsets(%dma_start3A_82 : memref<128xi32, #tpu.memory_space<vmem>>) semaphore(%arg11 : memref<!tpu.dma_semaphore, #tpu.memory_space<semaphore_mem>>)
    %dma_start3A_85 = arith.constant 2304 : i32
    %dma_start3A_86 = tpu.memref_slice %arg9[%dma_start3A_85] : memref<3072xf32, #tpu.memory_space<vmem>> -> memref<128xf32, #tpu.memory_space<vmem>>
    %dma_start3A_87 = arith.constant 768 : i32
    %dma_start3A_88 = tpu.memref_slice %arg8[%dma_start3A_87] : memref<1536xi32, #tpu.memory_space<vmem>> -> memref<128xi32, #tpu.memory_space<vmem>>
    %dma_start3A_89 = arith.constant 0 : i32
    %dma_start3A_90 = tpu.memref_slice %arg5[%dma_start3A_89] : memref<300000xf32, #tpu.memory_space<hbm>> -> memref<300000xf32, #tpu.memory_space<hbm>>
    tpu.enqueue_indirect_dma source(%dma_start3A_90 : memref<300000xf32, #tpu.memory_space<hbm>>) target(%dma_start3A_86 : memref<128xf32, #tpu.memory_space<vmem>>) offsets(%dma_start3A_88 : memref<128xi32, #tpu.memory_space<vmem>>) semaphore(%arg11 : memref<!tpu.dma_semaphore, #tpu.memory_space<semaphore_mem>>)
    %dma_start3A_91 = arith.constant 896 : i32
    %dma_start3A_92 = tpu.memref_slice %arg9[%dma_start3A_91] : memref<3072xf32, #tpu.memory_space<vmem>> -> memref<128xf32, #tpu.memory_space<vmem>>
    %dma_start3A_93 = arith.constant 896 : i32
    %dma_start3A_94 = tpu.memref_slice %arg8[%dma_start3A_93] : memref<1536xi32, #tpu.memory_space<vmem>> -> memref<128xi32, #tpu.memory_space<vmem>>
    %dma_start3A_95 = arith.constant 0 : i32
    %dma_start3A_96 = tpu.memref_slice %arg4[%dma_start3A_95] : memref<300000xf32, #tpu.memory_space<hbm>> -> memref<300000xf32, #tpu.memory_space<hbm>>
    tpu.enqueue_indirect_dma source(%dma_start3A_96 : memref<300000xf32, #tpu.memory_space<hbm>>) target(%dma_start3A_92 : memref<128xf32, #tpu.memory_space<vmem>>) offsets(%dma_start3A_94 : memref<128xi32, #tpu.memory_space<vmem>>) semaphore(%arg11 : memref<!tpu.dma_semaphore, #tpu.memory_space<semaphore_mem>>)
    %dma_start3A_97 = arith.constant 2432 : i32
    %dma_start3A_98 = tpu.memref_slice %arg9[%dma_start3A_97] : memref<3072xf32, #tpu.memory_space<vmem>> -> memref<128xf32, #tpu.memory_space<vmem>>
    %dma_start3A_99 = arith.constant 896 : i32
    %dma_start3A_100 = tpu.memref_slice %arg8[%dma_start3A_99] : memref<1536xi32, #tpu.memory_space<vmem>> -> memref<128xi32, #tpu.memory_space<vmem>>
    %dma_start3A_101 = arith.constant 0 : i32
    %dma_start3A_102 = tpu.memref_slice %arg5[%dma_start3A_101] : memref<300000xf32, #tpu.memory_space<hbm>> -> memref<300000xf32, #tpu.memory_space<hbm>>
    tpu.enqueue_indirect_dma source(%dma_start3A_102 : memref<300000xf32, #tpu.memory_space<hbm>>) target(%dma_start3A_98 : memref<128xf32, #tpu.memory_space<vmem>>) offsets(%dma_start3A_100 : memref<128xi32, #tpu.memory_space<vmem>>) semaphore(%arg11 : memref<!tpu.dma_semaphore, #tpu.memory_space<semaphore_mem>>)
    %dma_start3A_103 = arith.constant 1024 : i32
    %dma_start3A_104 = tpu.memref_slice %arg9[%dma_start3A_103] : memref<3072xf32, #tpu.memory_space<vmem>> -> memref<128xf32, #tpu.memory_space<vmem>>
    %dma_start3A_105 = arith.constant 1024 : i32
    %dma_start3A_106 = tpu.memref_slice %arg8[%dma_start3A_105] : memref<1536xi32, #tpu.memory_space<vmem>> -> memref<128xi32, #tpu.memory_space<vmem>>
    %dma_start3A_107 = arith.constant 0 : i32
    %dma_start3A_108 = tpu.memref_slice %arg4[%dma_start3A_107] : memref<300000xf32, #tpu.memory_space<hbm>> -> memref<300000xf32, #tpu.memory_space<hbm>>
    tpu.enqueue_indirect_dma source(%dma_start3A_108 : memref<300000xf32, #tpu.memory_space<hbm>>) target(%dma_start3A_104 : memref<128xf32, #tpu.memory_space<vmem>>) offsets(%dma_start3A_106 : memref<128xi32, #tpu.memory_space<vmem>>) semaphore(%arg11 : memref<!tpu.dma_semaphore, #tpu.memory_space<semaphore_mem>>)
    %dma_start3A_109 = arith.constant 2560 : i32
    %dma_start3A_110 = tpu.memref_slice %arg9[%dma_start3A_109] : memref<3072xf32, #tpu.memory_space<vmem>> -> memref<128xf32, #tpu.memory_space<vmem>>
    %dma_start3A_111 = arith.constant 1024 : i32
    %dma_start3A_112 = tpu.memref_slice %arg8[%dma_start3A_111] : memref<1536xi32, #tpu.memory_space<vmem>> -> memref<128xi32, #tpu.memory_space<vmem>>
    %dma_start3A_113 = arith.constant 0 : i32
    %dma_start3A_114 = tpu.memref_slice %arg5[%dma_start3A_113] : memref<300000xf32, #tpu.memory_space<hbm>> -> memref<300000xf32, #tpu.memory_space<hbm>>
    tpu.enqueue_indirect_dma source(%dma_start3A_114 : memref<300000xf32, #tpu.memory_space<hbm>>) target(%dma_start3A_110 : memref<128xf32, #tpu.memory_space<vmem>>) offsets(%dma_start3A_112 : memref<128xi32, #tpu.memory_space<vmem>>) semaphore(%arg11 : memref<!tpu.dma_semaphore, #tpu.memory_space<semaphore_mem>>)
    %dma_start3A_115 = arith.constant 1152 : i32
    %dma_start3A_116 = tpu.memref_slice %arg9[%dma_start3A_115] : memref<3072xf32, #tpu.memory_space<vmem>> -> memref<128xf32, #tpu.memory_space<vmem>>
    %dma_start3A_117 = arith.constant 1152 : i32
    %dma_start3A_118 = tpu.memref_slice %arg8[%dma_start3A_117] : memref<1536xi32, #tpu.memory_space<vmem>> -> memref<128xi32, #tpu.memory_space<vmem>>
    %dma_start3A_119 = arith.constant 0 : i32
    %dma_start3A_120 = tpu.memref_slice %arg4[%dma_start3A_119] : memref<300000xf32, #tpu.memory_space<hbm>> -> memref<300000xf32, #tpu.memory_space<hbm>>
    tpu.enqueue_indirect_dma source(%dma_start3A_120 : memref<300000xf32, #tpu.memory_space<hbm>>) target(%dma_start3A_116 : memref<128xf32, #tpu.memory_space<vmem>>) offsets(%dma_start3A_118 : memref<128xi32, #tpu.memory_space<vmem>>) semaphore(%arg11 : memref<!tpu.dma_semaphore, #tpu.memory_space<semaphore_mem>>)
    %dma_start3A_121 = arith.constant 2688 : i32
    %dma_start3A_122 = tpu.memref_slice %arg9[%dma_start3A_121] : memref<3072xf32, #tpu.memory_space<vmem>> -> memref<128xf32, #tpu.memory_space<vmem>>
    %dma_start3A_123 = arith.constant 1152 : i32
    %dma_start3A_124 = tpu.memref_slice %arg8[%dma_start3A_123] : memref<1536xi32, #tpu.memory_space<vmem>> -> memref<128xi32, #tpu.memory_space<vmem>>
    %dma_start3A_125 = arith.constant 0 : i32
    %dma_start3A_126 = tpu.memref_slice %arg5[%dma_start3A_125] : memref<300000xf32, #tpu.memory_space<hbm>> -> memref<300000xf32, #tpu.memory_space<hbm>>
    tpu.enqueue_indirect_dma source(%dma_start3A_126 : memref<300000xf32, #tpu.memory_space<hbm>>) target(%dma_start3A_122 : memref<128xf32, #tpu.memory_space<vmem>>) offsets(%dma_start3A_124 : memref<128xi32, #tpu.memory_space<vmem>>) semaphore(%arg11 : memref<!tpu.dma_semaphore, #tpu.memory_space<semaphore_mem>>)
    %dma_start3A_127 = arith.constant 1280 : i32
    %dma_start3A_128 = tpu.memref_slice %arg9[%dma_start3A_127] : memref<3072xf32, #tpu.memory_space<vmem>> -> memref<128xf32, #tpu.memory_space<vmem>>
    %dma_start3A_129 = arith.constant 1280 : i32
    %dma_start3A_130 = tpu.memref_slice %arg8[%dma_start3A_129] : memref<1536xi32, #tpu.memory_space<vmem>> -> memref<128xi32, #tpu.memory_space<vmem>>
    %dma_start3A_131 = arith.constant 0 : i32
    %dma_start3A_132 = tpu.memref_slice %arg4[%dma_start3A_131] : memref<300000xf32, #tpu.memory_space<hbm>> -> memref<300000xf32, #tpu.memory_space<hbm>>
    tpu.enqueue_indirect_dma source(%dma_start3A_132 : memref<300000xf32, #tpu.memory_space<hbm>>) target(%dma_start3A_128 : memref<128xf32, #tpu.memory_space<vmem>>) offsets(%dma_start3A_130 : memref<128xi32, #tpu.memory_space<vmem>>) semaphore(%arg11 : memref<!tpu.dma_semaphore, #tpu.memory_space<semaphore_mem>>)
    %dma_start3A_133 = arith.constant 2816 : i32
    %dma_start3A_134 = tpu.memref_slice %arg9[%dma_start3A_133] : memref<3072xf32, #tpu.memory_space<vmem>> -> memref<128xf32, #tpu.memory_space<vmem>>
    %dma_start3A_135 = arith.constant 1280 : i32
    %dma_start3A_136 = tpu.memref_slice %arg8[%dma_start3A_135] : memref<1536xi32, #tpu.memory_space<vmem>> -> memref<128xi32, #tpu.memory_space<vmem>>
    %dma_start3A_137 = arith.constant 0 : i32
    %dma_start3A_138 = tpu.memref_slice %arg5[%dma_start3A_137] : memref<300000xf32, #tpu.memory_space<hbm>> -> memref<300000xf32, #tpu.memory_space<hbm>>
    tpu.enqueue_indirect_dma source(%dma_start3A_138 : memref<300000xf32, #tpu.memory_space<hbm>>) target(%dma_start3A_134 : memref<128xf32, #tpu.memory_space<vmem>>) offsets(%dma_start3A_136 : memref<128xi32, #tpu.memory_space<vmem>>) semaphore(%arg11 : memref<!tpu.dma_semaphore, #tpu.memory_space<semaphore_mem>>)
    %dma_start3A_139 = arith.constant 1408 : i32
    %dma_start3A_140 = tpu.memref_slice %arg9[%dma_start3A_139] : memref<3072xf32, #tpu.memory_space<vmem>> -> memref<128xf32, #tpu.memory_space<vmem>>
    %dma_start3A_141 = arith.constant 1408 : i32
    %dma_start3A_142 = tpu.memref_slice %arg8[%dma_start3A_141] : memref<1536xi32, #tpu.memory_space<vmem>> -> memref<128xi32, #tpu.memory_space<vmem>>
    %dma_start3A_143 = arith.constant 0 : i32
    %dma_start3A_144 = tpu.memref_slice %arg4[%dma_start3A_143] : memref<300000xf32, #tpu.memory_space<hbm>> -> memref<300000xf32, #tpu.memory_space<hbm>>
    tpu.enqueue_indirect_dma source(%dma_start3A_144 : memref<300000xf32, #tpu.memory_space<hbm>>) target(%dma_start3A_140 : memref<128xf32, #tpu.memory_space<vmem>>) offsets(%dma_start3A_142 : memref<128xi32, #tpu.memory_space<vmem>>) semaphore(%arg11 : memref<!tpu.dma_semaphore, #tpu.memory_space<semaphore_mem>>)
    %dma_start3A_145 = arith.constant 2944 : i32
    %dma_start3A_146 = tpu.memref_slice %arg9[%dma_start3A_145] : memref<3072xf32, #tpu.memory_space<vmem>> -> memref<128xf32, #tpu.memory_space<vmem>>
    %dma_start3A_147 = arith.constant 1408 : i32
    %dma_start3A_148 = tpu.memref_slice %arg8[%dma_start3A_147] : memref<1536xi32, #tpu.memory_space<vmem>> -> memref<128xi32, #tpu.memory_space<vmem>>
    %dma_start3A_149 = arith.constant 0 : i32
    %dma_start3A_150 = tpu.memref_slice %arg5[%dma_start3A_149] : memref<300000xf32, #tpu.memory_space<hbm>> -> memref<300000xf32, #tpu.memory_space<hbm>>
    tpu.enqueue_indirect_dma source(%dma_start3A_150 : memref<300000xf32, #tpu.memory_space<hbm>>) target(%dma_start3A_146 : memref<128xf32, #tpu.memory_space<vmem>>) offsets(%dma_start3A_148 : memref<128xi32, #tpu.memory_space<vmem>>) semaphore(%arg11 : memref<!tpu.dma_semaphore, #tpu.memory_space<semaphore_mem>>)
    %mul3A_151 = arith.constant 512 : i32
    %mul3A_152 = arith.muli %add3A, %mul3A_151 : i32
    "tpu.region"() ({
      %run_scoped3A = tpu.sem_alloc : memref<!tpu.dma_semaphore, #tpu.memory_space<semaphore_mem>>
      %dma_start3A_304 = arith.constant 0 : i32
      %dma_start3A_305 = tpu.memref_slice %arg2[%mul3A_152, %dma_start3A_304] : memref<16384x6xf32, #tpu.memory_space<hbm>> -> memref<512x6xf32, #tpu.memory_space<hbm>>
      %dma_start3A_306 = arith.constant 0 : i32
      %dma_start3A_307 = tpu.memref_slice %arg2[%mul3A_152, %dma_start3A_306] : memref<16384x6xf32, #tpu.memory_space<hbm>> -> memref<512x6xf32, #tpu.memory_space<hbm>>
      tpu.enqueue_dma source(%dma_start3A_307 : memref<512x6xf32, #tpu.memory_space<hbm>>) target(%arg10 : memref<512x6xf32, #tpu.memory_space<vmem>>) target_semaphore(%run_scoped3A : memref<!tpu.dma_semaphore, #tpu.memory_space<semaphore_mem>>)
      %dma_wait3A_308 = arith.constant 0 : i32
      %dma_wait3A_309 = tpu.memref_slice %arg2[%mul3A_152, %dma_wait3A_308] : memref<16384x6xf32, #tpu.memory_space<hbm>> -> memref<512x6xf32, #tpu.memory_space<hbm>>
      %dma_wait3A_310 = arith.constant 0 : i32
      %dma_wait3A_311 = tpu.memref_slice %arg2[%mul3A_152, %dma_wait3A_310] : memref<16384x6xf32, #tpu.memory_space<hbm>> -> memref<512x6xf32, #tpu.memory_space<hbm>>
      tpu.wait_dma2 semaphore(%run_scoped3A : memref<!tpu.dma_semaphore, #tpu.memory_space<semaphore_mem>>) src(%dma_wait3A_311 : memref<512x6xf32, #tpu.memory_space<hbm>>) dst(%arg10 : memref<512x6xf32, #tpu.memory_space<vmem>>)
      tpu.yield
    }) : () -> ()
    %dma_wait3A = arith.constant 0 : i32
    %dma_wait3A_153 = tpu.memref_slice %arg9[%dma_wait3A] : memref<3072xf32, #tpu.memory_space<vmem>> -> memref<128xf32, #tpu.memory_space<vmem>>
    %dma_wait3A_154 = arith.constant 0 : i32
    %dma_wait3A_155 = tpu.memref_slice %arg8[%dma_wait3A_154] : memref<1536xi32, #tpu.memory_space<vmem>> -> memref<128xi32, #tpu.memory_space<vmem>>
    %dma_wait3A_156 = arith.constant 0 : i32
    %dma_wait3A_157 = tpu.memref_slice %arg4[%dma_wait3A_156] : memref<300000xf32, #tpu.memory_space<hbm>> -> memref<300000xf32, #tpu.memory_space<hbm>>
    tpu.wait_indirect_dma semaphore(%arg11 : memref<!tpu.dma_semaphore, #tpu.memory_space<semaphore_mem>>) src(%dma_wait3A_157 : memref<300000xf32, #tpu.memory_space<hbm>>) dst(%dma_wait3A_153 : memref<128xf32, #tpu.memory_space<vmem>>)
    %dma_wait3A_158 = arith.constant 1536 : i32
    %dma_wait3A_159 = tpu.memref_slice %arg9[%dma_wait3A_158] : memref<3072xf32, #tpu.memory_space<vmem>> -> memref<128xf32, #tpu.memory_space<vmem>>
    %dma_wait3A_160 = arith.constant 0 : i32
    %dma_wait3A_161 = tpu.memref_slice %arg8[%dma_wait3A_160] : memref<1536xi32, #tpu.memory_space<vmem>> -> memref<128xi32, #tpu.memory_space<vmem>>
    %dma_wait3A_162 = arith.constant 0 : i32
    %dma_wait3A_163 = tpu.memref_slice %arg5[%dma_wait3A_162] : memref<300000xf32, #tpu.memory_space<hbm>> -> memref<300000xf32, #tpu.memory_space<hbm>>
    tpu.wait_indirect_dma semaphore(%arg11 : memref<!tpu.dma_semaphore, #tpu.memory_space<semaphore_mem>>) src(%dma_wait3A_163 : memref<300000xf32, #tpu.memory_space<hbm>>) dst(%dma_wait3A_159 : memref<128xf32, #tpu.memory_space<vmem>>)
    %dma_wait3A_164 = arith.constant 128 : i32
    %dma_wait3A_165 = tpu.memref_slice %arg9[%dma_wait3A_164] : memref<3072xf32, #tpu.memory_space<vmem>> -> memref<128xf32, #tpu.memory_space<vmem>>
    %dma_wait3A_166 = arith.constant 128 : i32
    %dma_wait3A_167 = tpu.memref_slice %arg8[%dma_wait3A_166] : memref<1536xi32, #tpu.memory_space<vmem>> -> memref<128xi32, #tpu.memory_space<vmem>>
    %dma_wait3A_168 = arith.constant 0 : i32
    %dma_wait3A_169 = tpu.memref_slice %arg4[%dma_wait3A_168] : memref<300000xf32, #tpu.memory_space<hbm>> -> memref<300000xf32, #tpu.memory_space<hbm>>
    tpu.wait_indirect_dma semaphore(%arg11 : memref<!tpu.dma_semaphore, #tpu.memory_space<semaphore_mem>>) src(%dma_wait3A_169 : memref<300000xf32, #tpu.memory_space<hbm>>) dst(%dma_wait3A_165 : memref<128xf32, #tpu.memory_space<vmem>>)
    %dma_wait3A_170 = arith.constant 1664 : i32
    %dma_wait3A_171 = tpu.memref_slice %arg9[%dma_wait3A_170] : memref<3072xf32, #tpu.memory_space<vmem>> -> memref<128xf32, #tpu.memory_space<vmem>>
    %dma_wait3A_172 = arith.constant 128 : i32
    %dma_wait3A_173 = tpu.memref_slice %arg8[%dma_wait3A_172] : memref<1536xi32, #tpu.memory_space<vmem>> -> memref<128xi32, #tpu.memory_space<vmem>>
    %dma_wait3A_174 = arith.constant 0 : i32
    %dma_wait3A_175 = tpu.memref_slice %arg5[%dma_wait3A_174] : memref<300000xf32, #tpu.memory_space<hbm>> -> memref<300000xf32, #tpu.memory_space<hbm>>
    tpu.wait_indirect_dma semaphore(%arg11 : memref<!tpu.dma_semaphore, #tpu.memory_space<semaphore_mem>>) src(%dma_wait3A_175 : memref<300000xf32, #tpu.memory_space<hbm>>) dst(%dma_wait3A_171 : memref<128xf32, #tpu.memory_space<vmem>>)
    %dma_wait3A_176 = arith.constant 256 : i32
    %dma_wait3A_177 = tpu.memref_slice %arg9[%dma_wait3A_176] : memref<3072xf32, #tpu.memory_space<vmem>> -> memref<128xf32, #tpu.memory_space<vmem>>
    %dma_wait3A_178 = arith.constant 256 : i32
    %dma_wait3A_179 = tpu.memref_slice %arg8[%dma_wait3A_178] : memref<1536xi32, #tpu.memory_space<vmem>> -> memref<128xi32, #tpu.memory_space<vmem>>
    %dma_wait3A_180 = arith.constant 0 : i32
    %dma_wait3A_181 = tpu.memref_slice %arg4[%dma_wait3A_180] : memref<300000xf32, #tpu.memory_space<hbm>> -> memref<300000xf32, #tpu.memory_space<hbm>>
    tpu.wait_indirect_dma semaphore(%arg11 : memref<!tpu.dma_semaphore, #tpu.memory_space<semaphore_mem>>) src(%dma_wait3A_181 : memref<300000xf32, #tpu.memory_space<hbm>>) dst(%dma_wait3A_177 : memref<128xf32, #tpu.memory_space<vmem>>)
    %dma_wait3A_182 = arith.constant 1792 : i32
    %dma_wait3A_183 = tpu.memref_slice %arg9[%dma_wait3A_182] : memref<3072xf32, #tpu.memory_space<vmem>> -> memref<128xf32, #tpu.memory_space<vmem>>
    %dma_wait3A_184 = arith.constant 256 : i32
    %dma_wait3A_185 = tpu.memref_slice %arg8[%dma_wait3A_184] : memref<1536xi32, #tpu.memory_space<vmem>> -> memref<128xi32, #tpu.memory_space<vmem>>
    %dma_wait3A_186 = arith.constant 0 : i32
    %dma_wait3A_187 = tpu.memref_slice %arg5[%dma_wait3A_186] : memref<300000xf32, #tpu.memory_space<hbm>> -> memref<300000xf32, #tpu.memory_space<hbm>>
    tpu.wait_indirect_dma semaphore(%arg11 : memref<!tpu.dma_semaphore, #tpu.memory_space<semaphore_mem>>) src(%dma_wait3A_187 : memref<300000xf32, #tpu.memory_space<hbm>>) dst(%dma_wait3A_183 : memref<128xf32, #tpu.memory_space<vmem>>)
    %dma_wait3A_188 = arith.constant 384 : i32
    %dma_wait3A_189 = tpu.memref_slice %arg9[%dma_wait3A_188] : memref<3072xf32, #tpu.memory_space<vmem>> -> memref<128xf32, #tpu.memory_space<vmem>>
    %dma_wait3A_190 = arith.constant 384 : i32
    %dma_wait3A_191 = tpu.memref_slice %arg8[%dma_wait3A_190] : memref<1536xi32, #tpu.memory_space<vmem>> -> memref<128xi32, #tpu.memory_space<vmem>>
    %dma_wait3A_192 = arith.constant 0 : i32
    %dma_wait3A_193 = tpu.memref_slice %arg4[%dma_wait3A_192] : memref<300000xf32, #tpu.memory_space<hbm>> -> memref<300000xf32, #tpu.memory_space<hbm>>
    tpu.wait_indirect_dma semaphore(%arg11 : memref<!tpu.dma_semaphore, #tpu.memory_space<semaphore_mem>>) src(%dma_wait3A_193 : memref<300000xf32, #tpu.memory_space<hbm>>) dst(%dma_wait3A_189 : memref<128xf32, #tpu.memory_space<vmem>>)
    %dma_wait3A_194 = arith.constant 1920 : i32
    %dma_wait3A_195 = tpu.memref_slice %arg9[%dma_wait3A_194] : memref<3072xf32, #tpu.memory_space<vmem>> -> memref<128xf32, #tpu.memory_space<vmem>>
    %dma_wait3A_196 = arith.constant 384 : i32
    %dma_wait3A_197 = tpu.memref_slice %arg8[%dma_wait3A_196] : memref<1536xi32, #tpu.memory_space<vmem>> -> memref<128xi32, #tpu.memory_space<vmem>>
    %dma_wait3A_198 = arith.constant 0 : i32
    %dma_wait3A_199 = tpu.memref_slice %arg5[%dma_wait3A_198] : memref<300000xf32, #tpu.memory_space<hbm>> -> memref<300000xf32, #tpu.memory_space<hbm>>
    tpu.wait_indirect_dma semaphore(%arg11 : memref<!tpu.dma_semaphore, #tpu.memory_space<semaphore_mem>>) src(%dma_wait3A_199 : memref<300000xf32, #tpu.memory_space<hbm>>) dst(%dma_wait3A_195 : memref<128xf32, #tpu.memory_space<vmem>>)
    %dma_wait3A_200 = arith.constant 512 : i32
    %dma_wait3A_201 = tpu.memref_slice %arg9[%dma_wait3A_200] : memref<3072xf32, #tpu.memory_space<vmem>> -> memref<128xf32, #tpu.memory_space<vmem>>
    %dma_wait3A_202 = arith.constant 512 : i32
    %dma_wait3A_203 = tpu.memref_slice %arg8[%dma_wait3A_202] : memref<1536xi32, #tpu.memory_space<vmem>> -> memref<128xi32, #tpu.memory_space<vmem>>
    %dma_wait3A_204 = arith.constant 0 : i32
    %dma_wait3A_205 = tpu.memref_slice %arg4[%dma_wait3A_204] : memref<300000xf32, #tpu.memory_space<hbm>> -> memref<300000xf32, #tpu.memory_space<hbm>>
    tpu.wait_indirect_dma semaphore(%arg11 : memref<!tpu.dma_semaphore, #tpu.memory_space<semaphore_mem>>) src(%dma_wait3A_205 : memref<300000xf32, #tpu.memory_space<hbm>>) dst(%dma_wait3A_201 : memref<128xf32, #tpu.memory_space<vmem>>)
    %dma_wait3A_206 = arith.constant 2048 : i32
    %dma_wait3A_207 = tpu.memref_slice %arg9[%dma_wait3A_206] : memref<3072xf32, #tpu.memory_space<vmem>> -> memref<128xf32, #tpu.memory_space<vmem>>
    %dma_wait3A_208 = arith.constant 512 : i32
    %dma_wait3A_209 = tpu.memref_slice %arg8[%dma_wait3A_208] : memref<1536xi32, #tpu.memory_space<vmem>> -> memref<128xi32, #tpu.memory_space<vmem>>
    %dma_wait3A_210 = arith.constant 0 : i32
    %dma_wait3A_211 = tpu.memref_slice %arg5[%dma_wait3A_210] : memref<300000xf32, #tpu.memory_space<hbm>> -> memref<300000xf32, #tpu.memory_space<hbm>>
    tpu.wait_indirect_dma semaphore(%arg11 : memref<!tpu.dma_semaphore, #tpu.memory_space<semaphore_mem>>) src(%dma_wait3A_211 : memref<300000xf32, #tpu.memory_space<hbm>>) dst(%dma_wait3A_207 : memref<128xf32, #tpu.memory_space<vmem>>)
    %dma_wait3A_212 = arith.constant 640 : i32
    %dma_wait3A_213 = tpu.memref_slice %arg9[%dma_wait3A_212] : memref<3072xf32, #tpu.memory_space<vmem>> -> memref<128xf32, #tpu.memory_space<vmem>>
    %dma_wait3A_214 = arith.constant 640 : i32
    %dma_wait3A_215 = tpu.memref_slice %arg8[%dma_wait3A_214] : memref<1536xi32, #tpu.memory_space<vmem>> -> memref<128xi32, #tpu.memory_space<vmem>>
    %dma_wait3A_216 = arith.constant 0 : i32
    %dma_wait3A_217 = tpu.memref_slice %arg4[%dma_wait3A_216] : memref<300000xf32, #tpu.memory_space<hbm>> -> memref<300000xf32, #tpu.memory_space<hbm>>
    tpu.wait_indirect_dma semaphore(%arg11 : memref<!tpu.dma_semaphore, #tpu.memory_space<semaphore_mem>>) src(%dma_wait3A_217 : memref<300000xf32, #tpu.memory_space<hbm>>) dst(%dma_wait3A_213 : memref<128xf32, #tpu.memory_space<vmem>>)
    %dma_wait3A_218 = arith.constant 2176 : i32
    %dma_wait3A_219 = tpu.memref_slice %arg9[%dma_wait3A_218] : memref<3072xf32, #tpu.memory_space<vmem>> -> memref<128xf32, #tpu.memory_space<vmem>>
    %dma_wait3A_220 = arith.constant 640 : i32
    %dma_wait3A_221 = tpu.memref_slice %arg8[%dma_wait3A_220] : memref<1536xi32, #tpu.memory_space<vmem>> -> memref<128xi32, #tpu.memory_space<vmem>>
    %dma_wait3A_222 = arith.constant 0 : i32
    %dma_wait3A_223 = tpu.memref_slice %arg5[%dma_wait3A_222] : memref<300000xf32, #tpu.memory_space<hbm>> -> memref<300000xf32, #tpu.memory_space<hbm>>
    tpu.wait_indirect_dma semaphore(%arg11 : memref<!tpu.dma_semaphore, #tpu.memory_space<semaphore_mem>>) src(%dma_wait3A_223 : memref<300000xf32, #tpu.memory_space<hbm>>) dst(%dma_wait3A_219 : memref<128xf32, #tpu.memory_space<vmem>>)
    %dma_wait3A_224 = arith.constant 768 : i32
    %dma_wait3A_225 = tpu.memref_slice %arg9[%dma_wait3A_224] : memref<3072xf32, #tpu.memory_space<vmem>> -> memref<128xf32, #tpu.memory_space<vmem>>
    %dma_wait3A_226 = arith.constant 768 : i32
    %dma_wait3A_227 = tpu.memref_slice %arg8[%dma_wait3A_226] : memref<1536xi32, #tpu.memory_space<vmem>> -> memref<128xi32, #tpu.memory_space<vmem>>
    %dma_wait3A_228 = arith.constant 0 : i32
    %dma_wait3A_229 = tpu.memref_slice %arg4[%dma_wait3A_228] : memref<300000xf32, #tpu.memory_space<hbm>> -> memref<300000xf32, #tpu.memory_space<hbm>>
    tpu.wait_indirect_dma semaphore(%arg11 : memref<!tpu.dma_semaphore, #tpu.memory_space<semaphore_mem>>) src(%dma_wait3A_229 : memref<300000xf32, #tpu.memory_space<hbm>>) dst(%dma_wait3A_225 : memref<128xf32, #tpu.memory_space<vmem>>)
    %dma_wait3A_230 = arith.constant 2304 : i32
    %dma_wait3A_231 = tpu.memref_slice %arg9[%dma_wait3A_230] : memref<3072xf32, #tpu.memory_space<vmem>> -> memref<128xf32, #tpu.memory_space<vmem>>
    %dma_wait3A_232 = arith.constant 768 : i32
    %dma_wait3A_233 = tpu.memref_slice %arg8[%dma_wait3A_232] : memref<1536xi32, #tpu.memory_space<vmem>> -> memref<128xi32, #tpu.memory_space<vmem>>
    %dma_wait3A_234 = arith.constant 0 : i32
    %dma_wait3A_235 = tpu.memref_slice %arg5[%dma_wait3A_234] : memref<300000xf32, #tpu.memory_space<hbm>> -> memref<300000xf32, #tpu.memory_space<hbm>>
    tpu.wait_indirect_dma semaphore(%arg11 : memref<!tpu.dma_semaphore, #tpu.memory_space<semaphore_mem>>) src(%dma_wait3A_235 : memref<300000xf32, #tpu.memory_space<hbm>>) dst(%dma_wait3A_231 : memref<128xf32, #tpu.memory_space<vmem>>)
    %dma_wait3A_236 = arith.constant 896 : i32
    %dma_wait3A_237 = tpu.memref_slice %arg9[%dma_wait3A_236] : memref<3072xf32, #tpu.memory_space<vmem>> -> memref<128xf32, #tpu.memory_space<vmem>>
    %dma_wait3A_238 = arith.constant 896 : i32
    %dma_wait3A_239 = tpu.memref_slice %arg8[%dma_wait3A_238] : memref<1536xi32, #tpu.memory_space<vmem>> -> memref<128xi32, #tpu.memory_space<vmem>>
    %dma_wait3A_240 = arith.constant 0 : i32
    %dma_wait3A_241 = tpu.memref_slice %arg4[%dma_wait3A_240] : memref<300000xf32, #tpu.memory_space<hbm>> -> memref<300000xf32, #tpu.memory_space<hbm>>
    tpu.wait_indirect_dma semaphore(%arg11 : memref<!tpu.dma_semaphore, #tpu.memory_space<semaphore_mem>>) src(%dma_wait3A_241 : memref<300000xf32, #tpu.memory_space<hbm>>) dst(%dma_wait3A_237 : memref<128xf32, #tpu.memory_space<vmem>>)
    %dma_wait3A_242 = arith.constant 2432 : i32
    %dma_wait3A_243 = tpu.memref_slice %arg9[%dma_wait3A_242] : memref<3072xf32, #tpu.memory_space<vmem>> -> memref<128xf32, #tpu.memory_space<vmem>>
    %dma_wait3A_244 = arith.constant 896 : i32
    %dma_wait3A_245 = tpu.memref_slice %arg8[%dma_wait3A_244] : memref<1536xi32, #tpu.memory_space<vmem>> -> memref<128xi32, #tpu.memory_space<vmem>>
    %dma_wait3A_246 = arith.constant 0 : i32
    %dma_wait3A_247 = tpu.memref_slice %arg5[%dma_wait3A_246] : memref<300000xf32, #tpu.memory_space<hbm>> -> memref<300000xf32, #tpu.memory_space<hbm>>
    tpu.wait_indirect_dma semaphore(%arg11 : memref<!tpu.dma_semaphore, #tpu.memory_space<semaphore_mem>>) src(%dma_wait3A_247 : memref<300000xf32, #tpu.memory_space<hbm>>) dst(%dma_wait3A_243 : memref<128xf32, #tpu.memory_space<vmem>>)
    %dma_wait3A_248 = arith.constant 1024 : i32
    %dma_wait3A_249 = tpu.memref_slice %arg9[%dma_wait3A_248] : memref<3072xf32, #tpu.memory_space<vmem>> -> memref<128xf32, #tpu.memory_space<vmem>>
    %dma_wait3A_250 = arith.constant 1024 : i32
    %dma_wait3A_251 = tpu.memref_slice %arg8[%dma_wait3A_250] : memref<1536xi32, #tpu.memory_space<vmem>> -> memref<128xi32, #tpu.memory_space<vmem>>
    %dma_wait3A_252 = arith.constant 0 : i32
    %dma_wait3A_253 = tpu.memref_slice %arg4[%dma_wait3A_252] : memref<300000xf32, #tpu.memory_space<hbm>> -> memref<300000xf32, #tpu.memory_space<hbm>>
    tpu.wait_indirect_dma semaphore(%arg11 : memref<!tpu.dma_semaphore, #tpu.memory_space<semaphore_mem>>) src(%dma_wait3A_253 : memref<300000xf32, #tpu.memory_space<hbm>>) dst(%dma_wait3A_249 : memref<128xf32, #tpu.memory_space<vmem>>)
    %dma_wait3A_254 = arith.constant 2560 : i32
    %dma_wait3A_255 = tpu.memref_slice %arg9[%dma_wait3A_254] : memref<3072xf32, #tpu.memory_space<vmem>> -> memref<128xf32, #tpu.memory_space<vmem>>
    %dma_wait3A_256 = arith.constant 1024 : i32
    %dma_wait3A_257 = tpu.memref_slice %arg8[%dma_wait3A_256] : memref<1536xi32, #tpu.memory_space<vmem>> -> memref<128xi32, #tpu.memory_space<vmem>>
    %dma_wait3A_258 = arith.constant 0 : i32
    %dma_wait3A_259 = tpu.memref_slice %arg5[%dma_wait3A_258] : memref<300000xf32, #tpu.memory_space<hbm>> -> memref<300000xf32, #tpu.memory_space<hbm>>
    tpu.wait_indirect_dma semaphore(%arg11 : memref<!tpu.dma_semaphore, #tpu.memory_space<semaphore_mem>>) src(%dma_wait3A_259 : memref<300000xf32, #tpu.memory_space<hbm>>) dst(%dma_wait3A_255 : memref<128xf32, #tpu.memory_space<vmem>>)
    %dma_wait3A_260 = arith.constant 1152 : i32
    %dma_wait3A_261 = tpu.memref_slice %arg9[%dma_wait3A_260] : memref<3072xf32, #tpu.memory_space<vmem>> -> memref<128xf32, #tpu.memory_space<vmem>>
    %dma_wait3A_262 = arith.constant 1152 : i32
    %dma_wait3A_263 = tpu.memref_slice %arg8[%dma_wait3A_262] : memref<1536xi32, #tpu.memory_space<vmem>> -> memref<128xi32, #tpu.memory_space<vmem>>
    %dma_wait3A_264 = arith.constant 0 : i32
    %dma_wait3A_265 = tpu.memref_slice %arg4[%dma_wait3A_264] : memref<300000xf32, #tpu.memory_space<hbm>> -> memref<300000xf32, #tpu.memory_space<hbm>>
    tpu.wait_indirect_dma semaphore(%arg11 : memref<!tpu.dma_semaphore, #tpu.memory_space<semaphore_mem>>) src(%dma_wait3A_265 : memref<300000xf32, #tpu.memory_space<hbm>>) dst(%dma_wait3A_261 : memref<128xf32, #tpu.memory_space<vmem>>)
    %dma_wait3A_266 = arith.constant 2688 : i32
    %dma_wait3A_267 = tpu.memref_slice %arg9[%dma_wait3A_266] : memref<3072xf32, #tpu.memory_space<vmem>> -> memref<128xf32, #tpu.memory_space<vmem>>
    %dma_wait3A_268 = arith.constant 1152 : i32
    %dma_wait3A_269 = tpu.memref_slice %arg8[%dma_wait3A_268] : memref<1536xi32, #tpu.memory_space<vmem>> -> memref<128xi32, #tpu.memory_space<vmem>>
    %dma_wait3A_270 = arith.constant 0 : i32
    %dma_wait3A_271 = tpu.memref_slice %arg5[%dma_wait3A_270] : memref<300000xf32, #tpu.memory_space<hbm>> -> memref<300000xf32, #tpu.memory_space<hbm>>
    tpu.wait_indirect_dma semaphore(%arg11 : memref<!tpu.dma_semaphore, #tpu.memory_space<semaphore_mem>>) src(%dma_wait3A_271 : memref<300000xf32, #tpu.memory_space<hbm>>) dst(%dma_wait3A_267 : memref<128xf32, #tpu.memory_space<vmem>>)
    %dma_wait3A_272 = arith.constant 1280 : i32
    %dma_wait3A_273 = tpu.memref_slice %arg9[%dma_wait3A_272] : memref<3072xf32, #tpu.memory_space<vmem>> -> memref<128xf32, #tpu.memory_space<vmem>>
    %dma_wait3A_274 = arith.constant 1280 : i32
    %dma_wait3A_275 = tpu.memref_slice %arg8[%dma_wait3A_274] : memref<1536xi32, #tpu.memory_space<vmem>> -> memref<128xi32, #tpu.memory_space<vmem>>
    %dma_wait3A_276 = arith.constant 0 : i32
    %dma_wait3A_277 = tpu.memref_slice %arg4[%dma_wait3A_276] : memref<300000xf32, #tpu.memory_space<hbm>> -> memref<300000xf32, #tpu.memory_space<hbm>>
    tpu.wait_indirect_dma semaphore(%arg11 : memref<!tpu.dma_semaphore, #tpu.memory_space<semaphore_mem>>) src(%dma_wait3A_277 : memref<300000xf32, #tpu.memory_space<hbm>>) dst(%dma_wait3A_273 : memref<128xf32, #tpu.memory_space<vmem>>)
    %dma_wait3A_278 = arith.constant 2816 : i32
    %dma_wait3A_279 = tpu.memref_slice %arg9[%dma_wait3A_278] : memref<3072xf32, #tpu.memory_space<vmem>> -> memref<128xf32, #tpu.memory_space<vmem>>
    %dma_wait3A_280 = arith.constant 1280 : i32
    %dma_wait3A_281 = tpu.memref_slice %arg8[%dma_wait3A_280] : memref<1536xi32, #tpu.memory_space<vmem>> -> memref<128xi32, #tpu.memory_space<vmem>>
    %dma_wait3A_282 = arith.constant 0 : i32
    %dma_wait3A_283 = tpu.memref_slice %arg5[%dma_wait3A_282] : memref<300000xf32, #tpu.memory_space<hbm>> -> memref<300000xf32, #tpu.memory_space<hbm>>
    tpu.wait_indirect_dma semaphore(%arg11 : memref<!tpu.dma_semaphore, #tpu.memory_space<semaphore_mem>>) src(%dma_wait3A_283 : memref<300000xf32, #tpu.memory_space<hbm>>) dst(%dma_wait3A_279 : memref<128xf32, #tpu.memory_space<vmem>>)
    %dma_wait3A_284 = arith.constant 1408 : i32
    %dma_wait3A_285 = tpu.memref_slice %arg9[%dma_wait3A_284] : memref<3072xf32, #tpu.memory_space<vmem>> -> memref<128xf32, #tpu.memory_space<vmem>>
    %dma_wait3A_286 = arith.constant 1408 : i32
    %dma_wait3A_287 = tpu.memref_slice %arg8[%dma_wait3A_286] : memref<1536xi32, #tpu.memory_space<vmem>> -> memref<128xi32, #tpu.memory_space<vmem>>
    %dma_wait3A_288 = arith.constant 0 : i32
    %dma_wait3A_289 = tpu.memref_slice %arg4[%dma_wait3A_288] : memref<300000xf32, #tpu.memory_space<hbm>> -> memref<300000xf32, #tpu.memory_space<hbm>>
    tpu.wait_indirect_dma semaphore(%arg11 : memref<!tpu.dma_semaphore, #tpu.memory_space<semaphore_mem>>) src(%dma_wait3A_289 : memref<300000xf32, #tpu.memory_space<hbm>>) dst(%dma_wait3A_285 : memref<128xf32, #tpu.memory_space<vmem>>)
    %dma_wait3A_290 = arith.constant 2944 : i32
    %dma_wait3A_291 = tpu.memref_slice %arg9[%dma_wait3A_290] : memref<3072xf32, #tpu.memory_space<vmem>> -> memref<128xf32, #tpu.memory_space<vmem>>
    %dma_wait3A_292 = arith.constant 1408 : i32
    %dma_wait3A_293 = tpu.memref_slice %arg8[%dma_wait3A_292] : memref<1536xi32, #tpu.memory_space<vmem>> -> memref<128xi32, #tpu.memory_space<vmem>>
    %dma_wait3A_294 = arith.constant 0 : i32
    %dma_wait3A_295 = tpu.memref_slice %arg5[%dma_wait3A_294] : memref<300000xf32, #tpu.memory_space<hbm>> -> memref<300000xf32, #tpu.memory_space<hbm>>
    tpu.wait_indirect_dma semaphore(%arg11 : memref<!tpu.dma_semaphore, #tpu.memory_space<semaphore_mem>>) src(%dma_wait3A_295 : memref<300000xf32, #tpu.memory_space<hbm>>) dst(%dma_wait3A_291 : memref<128xf32, #tpu.memory_space<vmem>>)
    %scan3A_296 = arith.constant 0 : i32
    %scan3A_297 = arith.constant 0 : i32
    %scan3A_298 = arith.constant 192 : i32
    %scan3A_299 = arith.addi %scan3A_297, %scan3A_298 : i32
    %scan3A_300 = arith.constant 1 : i32
    scf.for %scan3A_304 = %scan3A_297 to %scan3A_299 step %scan3A_300  : i32 {
      %iota3A = tpu.iota {dimensions = array<i32: 0>} : vector<16xi32>
      %mul3A_305 = arith.constant 16 : i32
      %mul3A_306 = arith.muli %scan3A_304, %mul3A_305 : i32
      %add3A_307 = vector.broadcast %mul3A_306 : i32 to vector<16xi32>
      %add3A_308 = arith.addi %iota3A, %add3A_307 : vector<16xi32>
      %div3A = arith.constant 6 : i32
      %div3A_309 = vector.broadcast %div3A : i32 to vector<16xi32>
      %div3A_310 = arith.divsi %add3A_308, %div3A_309 : vector<16xi32>
      %rem3A = arith.constant 6 : i32
      %rem3A_311 = vector.broadcast %rem3A : i32 to vector<16xi32>
      %rem3A_312 = arith.remsi %add3A_308, %rem3A_311 : vector<16xi32>
      %mul3A_313 = arith.constant 3 : i32
      %mul3A_314 = vector.broadcast %mul3A_313 : i32 to vector<16xi32>
      %mul3A_315 = arith.muli %div3A_310, %mul3A_314 : vector<16xi32>
      %rem3A_316 = arith.constant 3 : i32
      %rem3A_317 = vector.broadcast %rem3A_316 : i32 to vector<16xi32>
      %rem3A_318 = arith.remsi %add3A_308, %rem3A_317 : vector<16xi32>
      %add3A_319 = arith.addi %mul3A_315, %rem3A_318 : vector<16xi32>
      %div3A_320 = arith.constant 3 : i32
      %div3A_321 = vector.broadcast %div3A_320 : i32 to vector<16xi32>
      %div3A_322 = arith.divsi %rem3A_312, %div3A_321 : vector<16xi32>
      %mul3A_323 = arith.constant 1536 : i32
      %mul3A_324 = vector.broadcast %mul3A_323 : i32 to vector<16xi32>
      %mul3A_325 = arith.muli %mul3A_324, %div3A_322 : vector<16xi32>
      %add3A_326 = arith.addi %add3A_319, %mul3A_325 : vector<16xi32>
      %gather3A = tpu.vector_load_idx %arg9[%add3A_326] : memref<3072xf32, #tpu.memory_space<vmem>>[vector<16xi32>], vector<16xf32>,
      %gather3A_327 = tpu.vector_load_idx %arg10[%div3A_310, %rem3A_312] : memref<512x6xf32, #tpu.memory_space<vmem>>[vector<16xi32>, vector<16xi32>], vector<16xf32>,
      %add3A_328 = arith.addf %gather3A_327, %gather3A : vector<16xf32>
      tpu.vector_store_idx %arg10[%div3A_310, %rem3A_312], %add3A_328 : memref<512x6xf32, #tpu.memory_space<vmem>>[vector<16xi32>, vector<16xi32>], vector<16xf32>,
    }
    %scan3A_301 = arith.constant 192 : i32
    %mul3A_302 = arith.constant 512 : i32
    %mul3A_303 = arith.muli %add3A, %mul3A_302 : i32
    "tpu.region"() ({
      %run_scoped3A = tpu.sem_alloc : memref<!tpu.dma_semaphore, #tpu.memory_space<semaphore_mem>>
      %dma_start3A_304 = arith.constant 0 : i32
      %dma_start3A_305 = tpu.memref_slice %arg6[%mul3A_303, %dma_start3A_304] : memref<16384x6xf32, #tpu.memory_space<hbm>> -> memref<512x6xf32, #tpu.memory_space<hbm>>
      %dma_start3A_306 = arith.constant 0 : i32
      %dma_start3A_307 = tpu.memref_slice %arg6[%mul3A_303, %dma_start3A_306] : memref<16384x6xf32, #tpu.memory_space<hbm>> -> memref<512x6xf32, #tpu.memory_space<hbm>>
      tpu.enqueue_dma source(%arg10 : memref<512x6xf32, #tpu.memory_space<vmem>>) target(%dma_start3A_307 : memref<512x6xf32, #tpu.memory_space<hbm>>) target_semaphore(%run_scoped3A : memref<!tpu.dma_semaphore, #tpu.memory_space<semaphore_mem>>)
      %dma_wait3A_308 = arith.constant 0 : i32
      %dma_wait3A_309 = tpu.memref_slice %arg6[%mul3A_303, %dma_wait3A_308] : memref<16384x6xf32, #tpu.memory_space<hbm>> -> memref<512x6xf32, #tpu.memory_space<hbm>>
      %dma_wait3A_310 = arith.constant 0 : i32
      %dma_wait3A_311 = tpu.memref_slice %arg6[%mul3A_303, %dma_wait3A_310] : memref<16384x6xf32, #tpu.memory_space<hbm>> -> memref<512x6xf32, #tpu.memory_space<hbm>>
      tpu.wait_dma2 semaphore(%run_scoped3A : memref<!tpu.dma_semaphore, #tpu.memory_space<semaphore_mem>>) src(%arg10 : memref<512x6xf32, #tpu.memory_space<vmem>>) dst(%dma_wait3A_311 : memref<512x6xf32, #tpu.memory_space<hbm>>)
      tpu.yield
    }) : () -> ()
    return
  }
}

</mosaic_0001>

<sc_bundles>
// kernel: kernel.3.cloned.1.call-start
scs
__scs_entry_jumppad:
0x0: {  	(pc) =	sbr.rel $0x88, $3  }
0x1: {  	(tag) =	ssettag $0x0;
	lr =	simm.s32 $0x1  }
0x2: {  	[smem:$0x3F9D] =	sst lr;
	_ =	strace $0xD0000000  }
0x3: {  	_ = 	snop  }
0x4: {  	_ = 	snop  }
0x5: {  	_ = 	snop  }
0x6: {  	_ = 	snop  }
0x7: {  	_ = 	snop  }
__scs_overlays_trampoline_lowered:
0x8: {  	[smem:$0x3FAC] =	sst s0  }
0x9: {  	[smem:$0x3FAD] =	sst s1  }
0xa: {  	[smem:$0x3FAE] =	sst s2  }
0xb: {  	[smem:$0x3FAF] =	sst s3  }
0xc: {  	[smem:$0x3FB0] =	sst s4  }
0xd: {  	[smem:$0x3FB1] =	sst s5  }
0xe: {  	[smem:$0x3FB2] =	sst s6  }
0xf: {  	[smem:$0x3FB3] =	sst s7  }
0x10: {  	[smem:$0x3FB4] =	sst s8  }
0x11: {  	[smem:$0x3FB5] =	sst s9;
	s0 =	simm.s32 @!p0 $0x0  }
0x12: {  	s1 =	sld [smem:$0x3F9B];
	s0 =	simm.s32 @p0 $0x1  }
0x13: {  	[smem:$0x3FB6] =	sst s0;
	s0 =	simm.s32 @!p1 $0x0  }
0x14: {  	s2 =	sld [smem:$0x3F9A];
	s0 =	simm.s32 @p1 $0x1  }
0x15: {  	[smem:$0x3FB7] =	sst s0;
	s0 =	simm.s32 @!p2 $0x0  }
0x16: {  	s3 =	sld [smem:$0x3FDB];
	s0 =	simm.s32 @p2 $0x1  }
0x17: {  	s4 =	simm.s32 $0x1BF5;
	[smem:$0x3FB9] =	sst s0  }
0x18: {  	s0 =	sld [smem:$0x3F9C];
	_ =	swait.ge [sflag:s4], $0x0  }
0x19: {  	s7 =	sld [smem:$0x3F9D]  }
0x1a: {  	s8 =	sadd.s32 $0xFFFFE003, lr  }
0x1b: {  	s9 =	sadd.s32 $0xFFFFFEF7, lr;
	s5 =	simm.s32 $0xFFFFFFFF;
	p2 =	slt.u32 s8, $0xFFFFF086  }
0x1c: {  	p1 =	slt.u32 s9, $0xF7A;
	s5 =	simm.s32 @!p2 $0x0  }
0x1d: {  	s5 =	simm.s32 @p1 $0x1;
	p0 =	seq.s32 s7, s2  }
0x1e: {  	s7 =	smul.u32 @!p0 $0xF7A, s2;
	p2 =	seq.s32 @!p0 s5, $0x0  }
0x1f: {  	s9 =	smul.u32 $0xF7A, s1;
	s8 =	simm.s32 @!p0 $0x1BF5;
	p2 =	por !p2, p0  }
0x20: {  	[sflag:s8] =	ssyncset.s32 @!p0 $0xFFFFF086;
	s6 =	sadd.s32 @!p0 s3, s7;
	s7 =	simm.s32 @!p0 $0x108  }
0x21: {  	s3 =	sadd.s32 s3, s9;
	s6 =	sadd.s32 @!p0 $0x88, s6;
	s7 =	simm.s32 @p2 $0x1082  }
0x22: {  	[simem:s7], [sflag:s8] =	dma.local @!p0 [hbm:s6], $0xF7A  }
0x23: {  	s9 =	sor.u32 $0xD0000000, s2;
	s6 =	simm.s32 $0x108;
	_ =	swait.ge @!p0 [sflag:s8], $0x0  }
0x24: {  	s3 =	sadd.s32 $0x88, s3;
	s6 =	simm.s32 @!p1 $0x1082;
	[sflag:s4] =	ssyncset.s32 $0xFFFFF086  }
0x25: {  	[simem:s6], [sflag:s4] =	dma.local [hbm:s3], $0xF7A  }
0x26: {  	[smem:$0x3F9D] =	sst s1;
	(tag) =	ssettag s2;
	_ =	strace s9  }
0x27: {  	s1 =	sld [smem:$0x3FAD]  }
0x28: {  	s2 =	sld [smem:$0x3FAE]  }
0x29: {  	s4 =	sld [smem:$0x3FB0]  }
0x2a: {  	p0 =	seq.s32 s5, $0x0;
	s5 =	sld [smem:$0x3FB1]  }
0x2b: {  	s6 =	sld [smem:$0x3FB2]  }
0x2c: {  	s7 =	sld [smem:$0x3FB3]  }
0x2d: {  	s3 =	simm.s32 $0x108;
	s8 =	sld [smem:$0x3FB4]  }
0x2e: {  	s3 =	simm.s32 @!p0 $0x1082;
	s9 =	sld [smem:$0x3FB5]  }
0x2f: {  	lr =	sadd.s32 s0, s3;
	s0 =	sld [smem:$0x3FAC]  }
0x30: {  	s3 =	sld [smem:$0x3FAF]  }
0x31: {  	[smem:$0x3FB8] =	sst s10  }
0x32: {  	s10 =	sld [smem:$0x3FB6];
	_ =	sdelay $0x3  }
0x33: {  	p0 =	seq.s32 s10, $0x1;
	s10 =	sld [smem:$0x3FB8];
	_ =	sdelay $0x3  }
0x34: {  	[smem:$0x3FB8] =	sst s10  }
0x35: {  	s10 =	sld [smem:$0x3FB7];
	_ =	sdelay $0x3  }
0x36: {  	p1 =	seq.s32 s10, $0x1;
	s10 =	sld [smem:$0x3FB8];
	_ =	sdelay $0x3  }
0x37: {  	[smem:$0x3FB8] =	sst s10  }
0x38: {  	s10 =	sld [smem:$0x3FB9]  }
0x39: {  	_ = 	snop;
	(pc) =	sbr.ind lr, $3  }
0x3a: {  	_ = 	snop  }
0x3b: {  	_ = 	snop  }
0x3c: {  	p2 =	seq.s32 s10, $0x1;
	s10 =	sld [smem:$0x3FB8]  }
0x3d: {  	_ =	shalt  }
0x3e: {  	_ =	shalt  }
0x3f: {  	_ =	shalt  }
0x40: {  	_ =	shalt  }
0x41: {  	_ =	shalt  }
0x42: {  	_ =	shalt  }
0x43: {  	_ =	shalt  }
0x44: {  	_ =	shalt  }
0x45: {  	_ =	shalt  }
0x46: {  	_ =	shalt  }
0x47: {  	_ =	shalt  }
0x48: {  	_ =	shalt  }
0x49: {  	_ =	shalt  }
0x4a: {  	_ =	shalt  }
0x4b: {  	_ =	shalt  }
0x4c: {  	_ =	shalt  }
0x4d: {  	_ =	shalt  }
0x4e: {  	_ =	shalt  }
0x4f: {  	_ =	shalt  }
0x50: {  	_ =	shalt  }
0x51: {  	_ =	shalt  }
0x52: {  	_ =	shalt  }
0x53: {  	_ =	shalt  }
0x54: {  	_ =	shalt  }
0x55: {  	_ =	shalt  }
0x56: {  	_ =	shalt  }
0x57: {  	_ =	shalt  }
0x58: {  	_ =	shalt  }
0x59: {  	_ =	shalt  }
0x5a: {  	_ =	shalt  }
0x5b: {  	_ =	shalt  }
0x5c: {  	_ =	shalt  }
0x5d: {  	_ =	shalt  }
0x5e: {  	_ =	shalt  }
0x5f: {  	_ =	shalt  }
0x60: {  	_ =	shalt  }
0x61: {  	_ =	shalt  }
0x62: {  	_ =	shalt  }
0x63: {  	_ =	shalt  }
0x64: {  	_ =	shalt  }
0x65: {  	_ =	shalt  }
0x66: {  	_ =	shalt  }
0x67: {  	_ =	shalt  }
0x68: {  	_ =	shalt  }
0x69: {  	_ =	shalt  }
0x6a: {  	_ =	shalt  }
0x6b: {  	_ =	shalt  }
0x6c: {  	_ =	shalt  }
0x6d: {  	_ =	shalt  }
0x6e: {  	_ =	shalt  }
0x6f: {  	_ =	shalt  }
0x70: {  	_ =	shalt  }
0x71: {  	_ =	shalt  }
0x72: {  	_ =	shalt  }
0x73: {  	_ =	shalt  }
0x74: {  	_ =	shalt  }
0x75: {  	_ =	shalt  }
0x76: {  	_ =	shalt  }
0x77: {  	_ =	shalt  }
0x78: {  	_ =	shalt  }
0x79: {  	_ =	shalt  }
0x7a: {  	_ =	shalt  }
0x7b: {  	_ =	shalt  }
0x7c: {  	_ =	shalt  }
0x7d: {  	_ =	shalt  }
0x7e: {  	_ =	shalt  }
0x7f: {  	_ =	shalt  }
0x80: {  	_ =	shalt  }
0x81: {  	_ =	shalt  }
0x82: {  	_ =	shalt  }
0x83: {  	_ =	shalt  }
0x84: {  	_ =	shalt  }
0x85: {  	_ =	shalt  }
0x86: {  	_ =	shalt  }
0x87: {  	_ =	shalt  }
.Lfunc_end0:
.L_simem_size_0:
called_computation_lowered:
.L_overlay_start_0:
0x88: {  	s2 =	sld [smem:$0x3FD9]  }
0x89: {  	s3 =	sld [smem:$0x3FFE];
	_ =	sdelay $0x1  }
0x8a: {  	s1 =	srdreg.scid  }
0x8b: {  	s0 =	sand.u32 $0x1, s1  }
0x8c: {  	s17 =	sshll.u32 s0, $0xA;
	s2 =	sadd.s32 s3, s2  }
0x8d: {  	s2 =	sadd.s32 s2, s17  }
0x8e: {  	[smem:$0x3FC4] =	sst s2  }
0x8f: {  	_ = 	snop  }
0x90: {  	s2 =	sld [smem:$0x3FC8]  }
0x91: {  	s18 =	sld [smem:$0x3FD0];
	(tm) =	ssettm $0x1  }
0x92: {  	s4 =	sld [smem:$0x3FFB];
	_ =	sdelay $0x3  }
0x93: {  	_ =	strace s4  }
0x94: {  	s4 =	sld [smem:$0x3FFC];
	_ =	sdelay $0x3  }
0x95: {  	_ =	strace s4  }
0x96: {  	s4 =	sld [smem:$0x3FFD];
	_ =	sdelay $0x3  }
0x97: {  	_ =	strace s4  }
0x98: {  	_ =	strace $0x8FFFFFFF  }
0x99: {  	s19 =	sld [smem:$0x3FDB];
	_ =	sdelay $0x1  }
0x9a: {  	s5 =	simm.s32 $_scs_section_size  }
0x9b: {  	s6 =	simm.s32 $_size__tile_overlayer_lowered;
	s7 =	simm.s32 $_tile_overlayer_lowered  }
0x9c: {  	s22 =	simm.s32 $0x1BFF;
	s21 =	sshll.u32 s7, $0x1;
	s4 =	sadd.s32 s5, s19  }
0x9d: {  	s8 =	simm.s32 $0x0;
	s20 =	sshll.u32 s6, $0x1;
	s6 =	sadd.s32 s21, s4  }
0x9e: {  	[timem:s8], [sflag:s22] =	dma.local [hbm:s6], s20  }
0x9f: {  	_ =	swait.ge [sflag:s22], s20  }
0xa0: {  	s5 =	ssub.s32 $0x0, s20;
	[sflag:s22] =	ssyncset.done $0x0  }
0xa1: {  	[sflag:s22] =	ssyncadd.s32 s5;
	_ =	sdelay $0x1  }
0xa2: {  	s23 =	simm.s32 $0x1B8B  }
0xa3: {  	_ =	swait.ge [sflag:s23], $0x1  }
0xa4: {  	[sflag:s23] =	ssyncset.done $0x0  }
0xa5: {  	s25 =	simm.s32 $0x1B8E;
	s24 =	sld [smem:$0x3FFE];
	[sflag:s23] =	ssyncadd.s32 $0xFFFFFFFF  }
0xa6: {  	s26 =	simm.s32 $execute0_lowered;
	[smem:$0x3FD2] =	sst s25  }
0xa7: {  	s6 =	sshll.u32 s26, $0x1;
	_ =	strace $0x80000046;
	[dreg:$0x1] =	wrdreg $0xFFFFFFFF  }
0xa8: {  	s28 =	simm.s32 $_size_execute0_lowered;
	s4 =	sadd.s32 s4, s6;
	[dreg:$0x0] =	wrdreg $0x0  }
0xa9: {  	s6 =	sshll.u32 s28, $0x1;
	[dreg:$0x2] =	wrdreg s4  }
0xaa: {  	[dreg:$0x3] =	wrdreg s6  }
0xab: {  	[dreg:$0x4] =	wrdreg $0xC0  }
0xac: {  	_ =	task [dreg:s8], $0x5FFFF  }
0xad: {  	[dreg:$0x1] =	wrdreg $0xFFFFFFFF  }
0xae: {  	[dreg:$0x0] =	wrdreg $0x60  }
0xaf: {  	[dreg:$0x2] =	wrdreg s18  }
0xb0: {  	[dreg:$0x3] =	wrdreg s2  }
0xb1: {  	[dreg:$0x4] =	wrdreg s24  }
0xb2: {  	[dreg:$0x5] =	wrdreg $0x9  }
0xb3: {  	_ =	task.clear_ibuf [dreg:s8], $0x6FFFF;
	_ =	strace $0x90000046  }
0xb4: {  	s29 =	simm.s32 $0x9;
	_ =	strace $0x80000048  }
0xb5: {  	_ =	swait.ge [sflag:s29], $0x1  }
0xb6: {  	[sflag:s29] =	ssyncadd.s32 $0xFFFFFFFF  }
0xb7: {  	_ =	strace $0x90000048  }
0xb8: {  	_ =	sfence  }
0xb9: {  	s30 =	sld [smem:$0x0];
	_ =	sdelay $0x2  }
0xba: {  	s31 =	sshll.u32 s1, $0xD;
	s1 =	sshrl.u32 s1, $0x2  }
0xbb: {  	s3 =	sand.u32 $0x4000, s31;
	s1 =	sadd.s32 s1, s30  }
0xbc: {  	s0 =	sor.u32 s3, s0;
	s1 =	sshll.u32 s1, $0x11  }
0xbd: {  	s0 =	sor.u32 s1, s0  }
0xbe: {  	s0 =	sadd.s32 $0x8F2B, s0  }
0xbf: {  	[sflag:s0] =	ssyncadd.remote.s32 $0x1  }
0xc0: {  	_ =	sfence.sel $0xFFFF  }
0xc1: {  	[dreg:$0x0] =	wrdreg $0xFFFFFFFF;
	(pc) =	sbr.abs _section_cstart, $3  }
0xc2: {  	[dreg:$0x1] =	wrdreg $0xFFFFFFFF  }
0xc3: {  	_ =	task.clear_ibuf [dreg:s8], $0x2FFFF;
	_ =	strace $0x9FFFFFFF  }
0xc4: {  	(tm) =	ssettm $0x7FFFFFFF  }
0xc5: {  	_ =	shalt  }
tec
execute0_lowered:
.L_overlay_start_1:
0x0: {  	(tag) =	ssettag $0x1  }
0x1: {  	s0 =	rddreg [dreg:$0x0]  }
0x2: {  	s2 =	rddreg [dreg:$0x1]  }
0x3: {  	s5 =	rddreg [dreg:$0x2]  }
0x4: {  	s1 =	simm.s32 $0x0;
	s4 =	srdreg.scid;
	s6 =	stileid.u32  }
0x5: {  	s10 =	simm.s32 $0x80;
	s11 =	simm.s32 $0x200;
	s12 =	simm.s32 $0x800  }
0x6: {  	s14 =	simm.s32 $0x280;
	s17 =	simm.s32 $0x300;
	s20 =	simm.s32 $0x380  }
0x7: {  	s23 =	simm.s32 $0x400;
	s30 =	simm.s32 $0x500;
	s16 =	simm.s32 $0x600  }
0x8: {  	s21 =	simm.s32 $0x680;
	s28 =	simm.s32 $0xD00;
	s29 =	simm.s32 $0x1300  }
0x9: {  	s31 =	simm.s32 $0x780;
	s13 =	simm.s32 $0x1380;
	s15 =	simm.s32 $0x1400  }
0xa: {  	s18 =	simm.s32 $0x1;
	s19 =	simm.s32 $0x0;
	[smem:$0x7FF] =	sst s1  }
0xb: {  	s3 =	sadd.s32 $0x190600, s5;
	s4 =	sand.u32 $0x1, s4;
	s6 =	sshll.u32 s6, $0xA  }
0xc: {  	_ =	strace $0x80000047;
	s7 =	sshll.u32 s4, $0x9;
	s8 =	ssub.s32 $0x2, s4  }
0xd: {  	s4 =	sadd.s32 $0x187200, s5;
	s6 =	sor.u32 s7, s6;
	s25 =	sshrl.u32 s8, $0x1  }
0xe: {  	s9 =	sadd.s32 s6, s5;
	s8 =	ssub.s32 s8, s25;
	s26 =	sshrl.u32 s6, $0x3  }
0xf: {  	s6 =	sadd.s32 s0, s6;
	s25 =	simm.s32 $0x700;
	s0 =	simm.s32 $0xD80  }
0x10: {  	s5 =	sadd.s32 s2, s26;
	s7 =	sadd.s32 $0x800, s9;
	s8 =	smax.u32 s8, $0x1  }
0x11: {  	v0 =	vlaneseq.u32;
	v1 =	vimm.s32 $0x0;
	s9 =	simm.s32 $0x2;
	s26 =	simm.s32 $0x480;
	s2 =	simm.s32 $0x580  }
.LBB2_1:
0x12: {  	v4 =	vor.u32 s1, v0  }
0x13: {  	v2 =	vmulhi.u32 $0xAAAAAAAB, v4;
	_ =	sdelay $0x1  }
0x14: {  	v5 =	vshrl.u32 v2, $0x1  }
0x15: {  	[tilespmem:s1], [sflag:$0x2] =	stream.linear.gather [hbm4b:s5+s1], $0x200, $0x38;
	[tilespmem:$0x2400] =	vst v63  }
0x16: {  	_ =	swait.ge [sflag:s9], $0x200  }
0x17: {  	[sflag:s9] =	ssyncset.done $0x0  }
0x18: {  	[sflag:s9] =	ssyncadd.s32 $0xFFFFFE00  }
0x19: {  	s22 =	simm.s32 $0x10;
	v6 =	vld.idx.msk [tilespmem:v5+s1+$0x0], $0xffff  }
0x1a: {  	v2 =	vor.u32 s22, v0  }
0x1b: {  	v3 =	vmulhi.u32 $0xAAAAAAAB, v2;
	_ =	sdelay $0x1  }
0x1c: {  	v3 =	vshrl.u32 v3, $0x1;
	v5 =	vmul.u32 $0xFFFFFFFD, v5  }
0x1d: {  	v6 =	vmul.u32 $0x3, v6  }
0x1e: {  	v4 =	vadd.s32 v4, v5  }
0x1f: {  	v4 =	vadd.s32 v4, v6  }
0x20: {  	[tilespmem:s11+$0x0] =	vst v4  }
0x21: {  	s24 =	simm.s32 $0x20;
	v5 =	vld.idx.msk [tilespmem:v3+s1+$0x0], $0xffff  }
0x22: {  	s22 =	simm.s32 $0x200;
	v4 =	vor.u32 s24, v0;
	s24 =	simm.s32 $0x30  }
.LBB2_2:
0x23: {  	p0 =	sne.s32 s24, $0x5F0;
	v6 =	vmulhi.u32 $0xAAAAAAAB, v4;
	_ =	sdelay $0x1  }
0x24: {  	v7 =	vmul.u32 $0xFFFFFFFD, v3;
	v3 =	vshrl.u32 v6, $0x1  }
0x25: {  	v5 =	vmul.u32 $0x3, v5  }
0x26: {  	v6 =	vadd.s32 v2, v7;
	v2 =	vmov v4  }
.Ltmp0:
0x27: {  	s22 =	sadd.s32 $0x10, s22;
	v4 =	vadd.s32 v6, v5;
	(pc) =	sbr.rel @p0 .LBB2_2-.Ltmp0, $3  }
0x28: {  	[tilespmem:s22+$0x0] =	vst v4  }
0x29: {  	v5 =	vld.idx.msk [tilespmem:v3+s1+$0x0], $0xffff;
	_ =	sdelay $0x1  }
0x2a: {  	v4 =	vor.u32 s24, v0;
	s24 =	sadd.s32 $0x10, s24  }
0x2b: {  	v6 =	vmulhi.u32 $0xAAAAAAAB, v4;
	_ =	sdelay $0x1  }
0x2c: {  	v3 =	vmul.u32 $0xFFFFFFFD, v3;
	v6 =	vshrl.u32 v6, $0x1  }
0x2d: {  	v5 =	vmul.u32 $0x3, v5  }
0x2e: {  	v2 =	vadd.s32 v2, v3  }
0x2f: {  	s22 =	sadd.s32 $0x10, s22;
	v2 =	vadd.s32 v2, v5  }
0x30: {  	[tilespmem:s22+$0x0] =	vst v2  }
0x31: {  	v2 =	vld.idx.msk [tilespmem:v6+s1+$0x0], $0xffff;
	_ =	sdelay $0x3  }
0x32: {  	v3 =	vmul.u32 $0xFFFFFFFD, v6  }
0x33: {  	v2 =	vmul.u32 $0x3, v2  }
0x34: {  	v3 =	vadd.s32 v4, v3  }
0x35: {  	s22 =	sadd.s32 $0x10, s22;
	v2 =	vadd.s32 v3, v2  }
0x36: {  	[tilespmem:s22+$0x0] =	vst v2  }
0x37: {  	[tilespmem:s12], [sflag:$0x1] =	stream.indirect.gather [hbm4b:s3+s10], $0x1, s11, s10, $0xb8;
	[tilespmem:$0x2400] =	vst v63  }
0x38: {  	s24 =	simm.s32 $0xE00  }
0x39: {  	[tilespmem:s24], [sflag:$0x1] =	stream.indirect.gather [hbm4b:s4+s10], $0x1, s11, s10, $0xb8;
	[tilespmem:$0x2400] =	vst v63  }
0x3a: {  	s24 =	simm.s32 $0x880  }
0x3b: {  	[tilespmem:s24], [sflag:$0x1] =	stream.indirect.gather [hbm4b:s3+s10], $0x1, s14, s10, $0xb8;
	[tilespmem:$0x2400] =	vst v63  }
0x3c: {  	s24 =	simm.s32 $0xE80  }
0x3d: {  	[tilespmem:s24], [sflag:$0x1] =	stream.indirect.gather [hbm4b:s4+s10], $0x1, s14, s10, $0xb8;
	[tilespmem:$0x2400] =	vst v63  }
0x3e: {  	s24 =	simm.s32 $0x900  }
0x3f: {  	[tilespmem:s24], [sflag:$0x1] =	stream.indirect.gather [hbm4b:s3+s10], $0x1, s17, s10, $0xb8;
	[tilespmem:$0x2400] =	vst v63  }
0x40: {  	s24 =	simm.s32 $0xF00  }
0x41: {  	[tilespmem:s24], [sflag:$0x1] =	stream.indirect.gather [hbm4b:s4+s10], $0x1, s17, s10, $0xb8;
	[tilespmem:$0x2400] =	vst v63  }
0x42: {  	s24 =	simm.s32 $0x980  }
0x43: {  	[tilespmem:s24], [sflag:$0x1] =	stream.indirect.gather [hbm4b:s3+s10], $0x1, s20, s10, $0xb8;
	[tilespmem:$0x2400] =	vst v63  }
0x44: {  	s24 =	simm.s32 $0xF80  }
0x45: {  	[tilespmem:s24], [sflag:$0x1] =	stream.indirect.gather [hbm4b:s4+s10], $0x1, s20, s10, $0xb8;
	[tilespmem:$0x2400] =	vst v63  }
0x46: {  	s24 =	simm.s32 $0xA00  }
0x47: {  	[tilespmem:s24], [sflag:$0x1] =	stream.indirect.gather [hbm4b:s3+s10], $0x1, s23, s10, $0xb8;
	[tilespmem:$0x2400] =	vst v63  }
0x48: {  	s24 =	simm.s32 $0x1000  }
0x49: {  	[tilespmem:s24], [sflag:$0x1] =	stream.indirect.gather [hbm4b:s4+s10], $0x1, s23, s10, $0xb8;
	[tilespmem:$0x2400] =	vst v63  }
0x4a: {  	s24 =	simm.s32 $0xA80  }
0x4b: {  	[tilespmem:s24], [sflag:$0x1] =	stream.indirect.gather [hbm4b:s3+s10], $0x1, s26, s10, $0xb8;
	[tilespmem:$0x2400] =	vst v63  }
0x4c: {  	s24 =	simm.s32 $0x1080  }
0x4d: {  	[tilespmem:s24], [sflag:$0x1] =	stream.indirect.gather [hbm4b:s4+s10], $0x1, s26, s10, $0xb8;
	[tilespmem:$0x2400] =	vst v63  }
0x4e: {  	s24 =	simm.s32 $0xB00  }
0x4f: {  	[tilespmem:s24], [sflag:$0x1] =	stream.indirect.gather [hbm4b:s3+s10], $0x1, s30, s10, $0xb8;
	[tilespmem:$0x2400] =	vst v63  }
0x50: {  	s24 =	simm.s32 $0x1100  }
0x51: {  	[tilespmem:s24], [sflag:$0x1] =	stream.indirect.gather [hbm4b:s4+s10], $0x1, s30, s10, $0xb8;
	[tilespmem:$0x2400] =	vst v63  }
0x52: {  	s24 =	simm.s32 $0xB80  }
0x53: {  	[tilespmem:s24], [sflag:$0x1] =	stream.indirect.gather [hbm4b:s3+s10], $0x1, s2, s10, $0xb8;
	[tilespmem:$0x2400] =	vst v63  }
0x54: {  	s24 =	simm.s32 $0x1180  }
0x55: {  	[tilespmem:s24], [sflag:$0x1] =	stream.indirect.gather [hbm4b:s4+s10], $0x1, s2, s10, $0xb8;
	[tilespmem:$0x2400] =	vst v63  }
0x56: {  	s24 =	simm.s32 $0xC00  }
0x57: {  	[tilespmem:s24], [sflag:$0x1] =	stream.indirect.gather [hbm4b:s3+s10], $0x1, s16, s10, $0xb8;
	[tilespmem:$0x2400] =	vst v63  }
0x58: {  	s24 =	simm.s32 $0x1200  }
0x59: {  	[tilespmem:s24], [sflag:$0x1] =	stream.indirect.gather [hbm4b:s4+s10], $0x1, s16, s10, $0xb8;
	[tilespmem:$0x2400] =	vst v63  }
0x5a: {  	s24 =	simm.s32 $0xC80  }
0x5b: {  	[tilespmem:s24], [sflag:$0x1] =	stream.indirect.gather [hbm4b:s3+s10], $0x1, s21, s10, $0xb8;
	[tilespmem:$0x2400] =	vst v63  }
0x5c: {  	s24 =	simm.s32 $0x1280  }
0x5d: {  	[tilespmem:s24], [sflag:$0x1] =	stream.indirect.gather [hbm4b:s4+s10], $0x1, s21, s10, $0xb8;
	[tilespmem:$0x2400] =	vst v63  }
0x5e: {  	_ = 	snop  }
0x5f: {  	[tilespmem:s28], [sflag:$0x1] =	stream.indirect.gather [hbm4b:s3+s10], $0x1, s25, s10, $0xb8;
	[tilespmem:$0x2400] =	vst v63  }
0x60: {  	_ = 	snop  }
0x61: {  	[tilespmem:s29], [sflag:$0x1] =	stream.indirect.gather [hbm4b:s4+s10], $0x1, s25, s10, $0xb8;
	[tilespmem:$0x2400] =	vst v63  }
0x62: {  	_ = 	snop  }
0x63: {  	[tilespmem:s0], [sflag:$0x1] =	stream.indirect.gather [hbm4b:s3+s10], $0x1, s31, s10, $0xb8;
	[tilespmem:$0x2400] =	vst v63  }
0x64: {  	_ = 	snop  }
0x65: {  	[tilespmem:s13], [sflag:$0x1] =	stream.indirect.gather [hbm4b:s4+s10], $0x1, s31, s10, $0xb8;
	[tilespmem:$0x2400] =	vst v63  }
0x66: {  	s24 =	simm.s32 $0x0  }
0x67: {  	[tilespmem:s15], [sflag:$0x2] =	stream.linear.gather [hbm4b:s6+s24], $0x1000, $0x38;
	[tilespmem:$0x2400] =	vst v63  }
0x68: {  	_ =	swait.ge [sflag:s9], $0x1000  }
0x69: {  	[sflag:s9] =	ssyncset.done $0x0  }
0x6a: {  	[sflag:s9] =	ssyncadd.s32 $0xFFFFF000  }
0x6b: {  	_ =	swait.ge [sflag:s18], $0x80  }
0x6c: {  	[sflag:s18] =	ssyncset.done $0x0  }
0x6d: {  	[sflag:s18] =	ssyncadd.s32 $0xFFFFFF80  }
0x6e: {  	_ =	swait.ge [sflag:s18], $0x80  }
0x6f: {  	[sflag:s18] =	ssyncset.done $0x0  }
0x70: {  	[sflag:s18] =	ssyncadd.s32 $0xFFFFFF80  }
0x71: {  	_ =	swait.ge [sflag:s18], $0x80  }
0x72: {  	[sflag:s18] =	ssyncset.done $0x0  }
0x73: {  	[sflag:s18] =	ssyncadd.s32 $0xFFFFFF80  }
0x74: {  	_ =	swait.ge [sflag:s18], $0x80  }
0x75: {  	[sflag:s18] =	ssyncset.done $0x0  }
0x76: {  	[sflag:s18] =	ssyncadd.s32 $0xFFFFFF80  }
0x77: {  	_ =	swait.ge [sflag:s18], $0x80  }
0x78: {  	[sflag:s18] =	ssyncset.done $0x0  }
0x79: {  	[sflag:s18] =	ssyncadd.s32 $0xFFFFFF80  }
0x7a: {  	_ =	swait.ge [sflag:s18], $0x80  }
0x7b: {  	[sflag:s18] =	ssyncset.done $0x0  }
0x7c: {  	[sflag:s18] =	ssyncadd.s32 $0xFFFFFF80  }
0x7d: {  	_ =	swait.ge [sflag:s18], $0x80  }
0x7e: {  	[sflag:s18] =	ssyncset.done $0x0  }
0x7f: {  	[sflag:s18] =	ssyncadd.s32 $0xFFFFFF80  }
0x80: {  	_ =	swait.ge [sflag:s18], $0x80  }
0x81: {  	[sflag:s18] =	ssyncset.done $0x0  }
0x82: {  	[sflag:s18] =	ssyncadd.s32 $0xFFFFFF80  }
0x83: {  	_ =	swait.ge [sflag:s18], $0x80  }
0x84: {  	[sflag:s18] =	ssyncset.done $0x0  }
0x85: {  	[sflag:s18] =	ssyncadd.s32 $0xFFFFFF80  }
0x86: {  	_ =	swait.ge [sflag:s18], $0x80  }
0x87: {  	[sflag:s18] =	ssyncset.done $0x0  }
0x88: {  	[sflag:s18] =	ssyncadd.s32 $0xFFFFFF80  }
0x89: {  	_ =	swait.ge [sflag:s18], $0x80  }
0x8a: {  	[sflag:s18] =	ssyncset.done $0x0  }
0x8b: {  	[sflag:s18] =	ssyncadd.s32 $0xFFFFFF80  }
0x8c: {  	_ =	swait.ge [sflag:s18], $0x80  }
0x8d: {  	[sflag:s18] =	ssyncset.done $0x0  }
0x8e: {  	[sflag:s18] =	ssyncadd.s32 $0xFFFFFF80  }
0x8f: {  	_ =	swait.ge [sflag:s18], $0x80  }
0x90: {  	[sflag:s18] =	ssyncset.done $0x0  }
0x91: {  	[sflag:s18] =	ssyncadd.s32 $0xFFFFFF80  }
0x92: {  	_ =	swait.ge [sflag:s18], $0x80  }
0x93: {  	[sflag:s18] =	ssyncset.done $0x0  }
0x94: {  	[sflag:s18] =	ssyncadd.s32 $0xFFFFFF80  }
0x95: {  	_ =	swait.ge [sflag:s18], $0x80  }
0x96: {  	[sflag:s18] =	ssyncset.done $0x0  }
0x97: {  	[sflag:s18] =	ssyncadd.s32 $0xFFFFFF80  }
0x98: {  	_ =	swait.ge [sflag:s18], $0x80  }
0x99: {  	[sflag:s18] =	ssyncset.done $0x0  }
0x9a: {  	[sflag:s18] =	ssyncadd.s32 $0xFFFFFF80  }
0x9b: {  	_ =	swait.ge [sflag:s18], $0x80  }
0x9c: {  	[sflag:s18] =	ssyncset.done $0x0  }
0x9d: {  	[sflag:s18] =	ssyncadd.s32 $0xFFFFFF80  }
0x9e: {  	_ =	swait.ge [sflag:s18], $0x80  }
0x9f: {  	[sflag:s18] =	ssyncset.done $0x0  }
0xa0: {  	[sflag:s18] =	ssyncadd.s32 $0xFFFFFF80  }
0xa1: {  	_ =	swait.ge [sflag:s18], $0x80  }
0xa2: {  	[sflag:s18] =	ssyncset.done $0x0  }
0xa3: {  	[sflag:s18] =	ssyncadd.s32 $0xFFFFFF80  }
0xa4: {  	_ =	swait.ge [sflag:s18], $0x80  }
0xa5: {  	[sflag:s18] =	ssyncset.done $0x0  }
0xa6: {  	v2 =	vor.u32 s24, v0;
	[sflag:s18] =	ssyncadd.s32 $0xFFFFFF80  }
0xa7: {  	v3 =	vmulhi.u32 $0xAAAAAAAB, v2;
	_ =	swait.ge [sflag:s18], $0x80  }
0xa8: {  	[sflag:s18] =	ssyncset.done $0x0  }
0xa9: {  	v4 =	vshrl.u32 v3, $0x2;
	[sflag:s18] =	ssyncadd.s32 $0xFFFFFF80  }
0xaa: {  	v3 =	vshrl.u32 v3, $0x1;
	v5 =	vmul.u32 $0xFFFFFFFA, v4;
	_ =	swait.ge [sflag:s18], $0x80  }
0xab: {  	v3 =	vmul.u32 $0x3, v3;
	[sflag:s18] =	ssyncset.done $0x0  }
0xac: {  	v6 =	vmul.u32 $0x3, v4;
	v5 =	vadd.s32 v2, v5;
	[sflag:s18] =	ssyncadd.s32 $0xFFFFFF80  }
0xad: {  	v2 =	vsub.s32 v2, v3;
	v3 =	vshll.u32 v4, $0x3;
	vm0 =	vgt.u32 v5, $0x2;
	_ =	swait.ge [sflag:s18], $0x80  }
0xae: {  	v4 =	vadd.s32 v2, v6;
	v2 =	vor.u32 v5, v3;
	v6 =	vsel vm0, $0x600, v1;
	s24 =	simm.s32 $0x10;
	[sflag:s18] =	ssyncset.done $0x0  }
0xaf: {  	v3 =	vadd.s32 v6, v4;
	v4 =	vor.u32 s24, v0;
	[sflag:s18] =	ssyncadd.s32 $0xFFFFFF80  }
0xb0: {  	v5 =	vmulhi.u32 $0xAAAAAAAB, v4;
	_ =	swait.ge [sflag:s18], $0x80  }
0xb1: {  	[sflag:s18] =	ssyncset.done $0x0  }
0xb2: {  	v6 =	vshrl.u32 v5, $0x2;
	[sflag:s18] =	ssyncadd.s32 $0xFFFFFF80  }
0xb3: {  	v5 =	vshrl.u32 v5, $0x1;
	v8 =	vmul.u32 $0xFFFFFFFA, v6;
	v7 =	vld.idx.msk [tilespmem:v2+s15+$0x0], $0xffff  }
0xb4: {  	v9 =	vld.idx.msk [tilespmem:v3+s12+$0x0], $0xffff;
	v3 =	vmul.u32 $0x3, v5  }
0xb5: {  	v5 =	vadd.s32 v4, v8;
	v8 =	vmul.u32 $0x3, v6  }
0xb6: {  	vm15 =	vgt.u32 v5, $0x2;
	v3 =	vsub.s32 v4, v3  }
0xb7: {  	v4 =	vshll.u32 v6, $0x3;
	v6 =	vadd.s32 v3, v8;
	v8 =	vsel vm15, $0x600, v1  }
0xb8: {  	s24 =	simm.s32 $0x20;
	v3 =	vor.u32 v5, v4;
	v5 =	vadd.s32 v8, v6  }
0xb9: {  	s22 =	simm.s32 $0x30;
	v4 =	vor.u32 s24, v0;
	v6 =	vadd.f32 v7, v9  }
.LBB2_4:
0xba: {  	p0 =	sne.s32 s22, $0xBF0;
	v7 =	vmulhi.u32 $0xAAAAAAAB, v4  }
0xbb: {  	[tilespmem:v2+s15+$0x0] =	vst.idx.msk $0xffff, v6;
	v2 =	vmov v3  }
0xbc: {  	v6 =	vshrl.u32 v7, $0x2;
	v8 =	vld.idx.msk [tilespmem:v3+s15+$0x0], $0xffff  }
0xbd: {  	v7 =	vshrl.u32 v7, $0x1;
	v3 =	vmul.u32 $0xFFFFFFFA, v6;
	v9 =	vld.idx.msk [tilespmem:v5+s12+$0x0], $0xffff  }
0xbe: {  	v5 =	vmul.u32 $0x3, v7  }
.Ltmp1:
0xbf: {  	v7 =	vmul.u32 $0x3, v6;
	v3 =	vadd.s32 v4, v3;
	(pc) =	sbr.rel @p0 .LBB2_4-.Ltmp1, $4  }
0xc0: {  	v4 =	vsub.s32 v4, v5;
	v5 =	vshll.u32 v6, $0x3;
	vm0 =	vgt.u32 v3, $0x2  }
0xc1: {  	v4 =	vadd.s32 v4, v7;
	v3 =	vor.u32 v3, v5;
	v6 =	vsel vm0, $0x600, v1  }
0xc2: {  	v5 =	vadd.s32 v6, v4  }
0xc3: {  	v4 =	vor.u32 s22, v0;
	s22 =	sadd.s32 $0x10, s22;
	v6 =	vadd.f32 v8, v9  }
0xc4: {  	_ =	sdelay $0x1  }
0xc5: {  	v7 =	vmulhi.u32 $0xAAAAAAAB, v4;
	_ =	sdelay $0x1  }
0xc6: {  	[tilespmem:v2+s15+$0x0] =	vst.idx.msk $0xffff, v6;
	v2 =	vshrl.u32 v7, $0x2  }
0xc7: {  	v6 =	vld.idx.msk [tilespmem:v3+s15+$0x0], $0xffff;
	v7 =	vshrl.u32 v7, $0x1;
	v8 =	vmul.u32 $0xFFFFFFFA, v2  }
0xc8: {  	v5 =	vld.idx.msk [tilespmem:v5+s12+$0x0], $0xffff;
	v7 =	vmul.u32 $0x3, v7  }
0xc9: {  	v9 =	vmul.u32 $0x3, v2;
	v8 =	vadd.s32 v4, v8  }
0xca: {  	v2 =	vshll.u32 v2, $0x3;
	v62 =	vsub.s32 v4, v7;
	vm0 =	vgt.u32 v8, $0x2  }
0xcb: {  	v4 =	vadd.s32 v62, v9;
	v2 =	vor.u32 v8, v2;
	v63 =	vsel vm0, $0x600, v1  }
0xcc: {  	v4 =	vadd.s32 v63, v4  }
0xcd: {  	v5 =	vadd.f32 v6, v5;
	_ =	sdelay $0x1  }
0xce: {  	[tilespmem:v3+s15+$0x0] =	vst.idx.msk $0xffff, v5  }
0xcf: {  	v3 =	vld.idx.msk [tilespmem:v2+s15+$0x0], $0xffff  }
0xd0: {  	v4 =	vld.idx.msk [tilespmem:v4+s12+$0x0], $0xffff;
	_ =	sdelay $0x4  }
0xd1: {  	s19 =	sadd.s32 $0x1, s19;
	v3 =	vadd.f32 v3, v4  }
0xd2: {  	p0 =	sne.s32 s19, s8  }
.Ltmp2:
0xd3: {  	[tilespmem:v2+s15+$0x0] =	vst.idx.msk $0xffff, v3;
	(pc) =	sbr.rel @p0 .LBB2_1-.Ltmp2, $4  }
0xd4: {  	[hbm4b:s7+s1] =	stream.linear.scatter [tilespmem:s15], [sflag:$0x2], $0x1000, $0x38;
	[tilespmem:$0x2400] =	vst v63  }
0xd5: {  	_ =	swait.ge [sflag:s9], $0x1000  }
0xd6: {  	[sflag:s9] =	ssyncset.done $0x0  }
0xd7: {  	[sflag:s9] =	ssyncadd.s32 $0xFFFFF000  }
0xd8: {  	_ =	sfence.sel $0x180000  }
0xd9: {  	[bflag:$0x0] =	sbarrier.arrive $0xFFFF  }
0xda: {  	_ =	strace $0x90000047  }
0xdb: {  	s0 =	stileid.u32;
	[bflag:$0x2] =	sbarrier.arrive $0xFFFF  }
0xdc: {  	p0 =	sne.s32 s0, $0x0;
	s0 =	rddreg [dreg:$0x3]  }
0xdd: {  	s0 =	sadd.s32 @!p0 $0x100000, s0  }
0xde: {  	[sflag:s0] =	ssyncadd.tile.s32 @!p0 $0x1;
	_ =	shalt  }
.Lfunc_end2:
_tile_overlayer_lowered:
.L_overlay_start_2:
0xdf: {  	(tag) =	ssettag $0x2  }
0xe0: {  	s0 =	rddreg [dreg:$0x0];
	s2 =	stileid.u32  }
0xe1: {  	s1 =	rddreg [dreg:$0x1];
	p0 =	sne.s32 s2, $0x0  }
0xe2: {  	s3 =	rddreg [dreg:$0x2];
	[bflag:$0x3] =	sbarrier.arrive $0xFFFF;
	s2 =	simm.s32 @!p0 $0x1C02  }
0xe3: {  	[timem:s3], [sflag:s2] =	dma.local @!p0 [hbm:s0], s1  }
0xe4: {  	s0 =	simm.s32 @!p0 $0x2  }
0xe5: {  	_ =	swait.ge @!p0 [sflag:s0], s1  }
0xe6: {  	s1 =	ssub.s32 @!p0 $0x0, s1;
	[sflag:s0] =	ssyncset.done @!p0 $0x0  }
0xe7: {  	[sflag:s0] =	ssyncadd.s32 @!p0 s1  }
0xe8: {  	[bflag:$0x3] =	sbarrier.arrive $0xFFFF  }
0xe9: {  	_ =	shalt  }

</sc_bundles>
